<compile_context>
chip_gen: v7x
topology: tpu7x:2x2x1
jax: 0.10.2.dev20260603
libtpu: 0.0.44.dev20260713+nightly
codegen_flags: <defaults>
</compile_context>

<pallas_src>
import jax
import jax.numpy as jnp
from jax import lax
from jax.experimental import pallas as pl
from jax.experimental.pallas import tpu as pltpu
from jax.experimental.pallas import tpu_sc as plsc

B = 16384
D = 128
HID = 256
SQ = 128

BIG_NEG = -3.0e38



def _dest_kernel(iscl2d, q2d, dest_out, pcnt_out, logq_out):
  f32 = jnp.float32
  bf16 = jnp.bfloat16
  r_id = lax.broadcasted_iota(jnp.int32, (SQ, SQ), 0)
  c_id = lax.broadcasted_iota(jnp.int32, (SQ, SQ), 1)
  x = jnp.where(iscl2d[...] == 1, 1.0, 0.0).astype(f32)
  upper = jnp.where(r_id < c_id, 1.0, 0.0).astype(bf16)
  lower = jnp.where(r_id > c_id, 1.0, 0.0).astype(bf16)
  dn = (((1,), (0,)), ((), ()))
  xb = x.astype(bf16)
  inrow_excl = lax.dot_general(xb, upper, dn, preferred_element_type=f32)
  rowsums = jnp.sum(x, axis=1, keepdims=True)
  rowpre = lax.dot_general(lower, rowsums.astype(bf16), dn,
                           preferred_element_type=f32)
  pre = rowpre + inrow_excl
  total = jnp.sum(x)
  kf = (r_id * SQ + c_id).astype(f32)
  destf = jnp.where(x > 0.0, pre, total + kf - pre)
  dest_out[...] = destf.astype(jnp.int32)
  pcnt_out[...] = jnp.full((1, 1), total, f32).astype(jnp.int32)
  logq_out[...] = jnp.log(jnp.maximum(q2d[...], 1e-6))


def _dest(iscl2d, q2d):
  full = pl.BlockSpec((SQ, SQ), lambda: (0, 0))
  return pl.pallas_call(
      _dest_kernel,
      in_specs=[full, full],
      out_specs=[full, pl.BlockSpec((1, 1), lambda: (0, 0)), full],
      out_shape=[jax.ShapeDtypeStruct((SQ, SQ), jnp.int32),
                 jax.ShapeDtypeStruct((1, 1), jnp.int32),
                 jax.ShapeDtypeStruct((SQ, SQ), jnp.float32)],
  )(iscl2d, q2d)



_SC_CORES = 2
_SC_SUBCORES = 16
_NW = _SC_CORES * _SC_SUBCORES
_ROWS_PER_W = B // _NW
_PK = 128


def _sc_gather4_kernel(t0, t1, t2, t3, i0, i1, i2, i3, dest_hbm,
                       o0, o1, o2, o3,
                       idx_v, dest_v, rows_v, sem):
  wid = lax.axis_index("s") * _SC_CORES + lax.axis_index("c")
  base = wid * _ROWS_PER_W
  chunk = pl.ds(base, _ROWS_PER_W)
  pltpu.sync_copy(dest_hbm.at[chunk], dest_v)
  for t_hbm, i_hbm, o_hbm in ((t0, i0, o0), (t1, i1, o1),
                              (t2, i2, o2), (t3, i3, o3)):
    pltpu.sync_copy(i_hbm.at[chunk], idx_v)
    pltpu.async_copy(t_hbm.at[idx_v], rows_v, sem).wait()
    pltpu.sync_copy(rows_v, o_hbm.at[dest_v])


def _gather4(tables, ids, dest):
  out_t = [jax.ShapeDtypeStruct((B, D), jnp.float32) for _ in range(4)]
  mesh = plsc.VectorSubcoreMesh(core_axis_name="c", subcore_axis_name="s")
  kern = pl.kernel(
      _sc_gather4_kernel,
      out_type=out_t,
      mesh=mesh,
      scratch_types=[
          pltpu.VMEM((_ROWS_PER_W,), jnp.int32),
          pltpu.VMEM((_ROWS_PER_W,), jnp.int32),
          pltpu.VMEM((_ROWS_PER_W, D), jnp.float32),
          pltpu.SemaphoreType.DMA,
      ],
  )
  return kern(*tables, *ids, dest)


def _sc_pack_kernel(pack_hbm, dest_hbm, packo_hbm, dest_v, rows_v):
  wid = lax.axis_index("s") * _SC_CORES + lax.axis_index("c")
  base = wid * _ROWS_PER_W
  chunk = pl.ds(base, _ROWS_PER_W)
  pltpu.sync_copy(dest_hbm.at[chunk], dest_v)
  pltpu.sync_copy(pack_hbm.at[chunk], rows_v)
  pltpu.sync_copy(rows_v, packo_hbm.at[dest_v])


def _sc_pack(pack, dest):
  mesh = plsc.VectorSubcoreMesh(core_axis_name="c", subcore_axis_name="s")
  kern = pl.kernel(
      _sc_pack_kernel,
      out_type=jax.ShapeDtypeStruct((B, _PK), jnp.float32),
      mesh=mesh,
      scratch_types=[
          pltpu.VMEM((_ROWS_PER_W,), jnp.int32),
          pltpu.VMEM((_ROWS_PER_W, _PK), jnp.float32),
      ],
  )
  return kern(pack, dest)



_TB = 1024


def _towers_kernel(g_ad, g_cate, g_camp, g_user,
                   ad_w1, ad_b1, ad_w2, ad_b2,
                   u_w1, u_b1, u_w2, u_b2,
                   ad_out, u_out):
  f32 = jnp.float32
  dn = (((1,), (0,)), ((), ()))

  def mm(x, w):
    return lax.dot_general(x, w, dn, preferred_element_type=f32)

  w1a = ad_w1[0:D, :].astype(jnp.bfloat16)
  w1b = ad_w1[D:2 * D, :].astype(jnp.bfloat16)
  w1c = ad_w1[2 * D:3 * D, :].astype(jnp.bfloat16)
  h = mm(g_ad[...].astype(jnp.bfloat16), w1a)
  h += mm(g_cate[...].astype(jnp.bfloat16), w1b)
  h += mm(g_camp[...].astype(jnp.bfloat16), w1c)
  h = jnp.maximum(h + ad_b1[...], 0.0).astype(jnp.bfloat16)
  a_emb = mm(h, ad_w2[...].astype(jnp.bfloat16)) + ad_b2[...]
  ad_out[...] = a_emb.astype(jnp.bfloat16)

  hu = mm(g_user[...].astype(jnp.bfloat16), u_w1[...].astype(jnp.bfloat16))
  hu = jnp.maximum(hu + u_b1[...], 0.0).astype(jnp.bfloat16)
  u_emb = mm(hu, u_w2[...].astype(jnp.bfloat16)) + u_b2[...]
  u_out[...] = u_emb.astype(jnp.bfloat16)


def _towers(g_ad, g_cate, g_camp, g_user,
            ad_w1, ad_b1, ad_w2, ad_b2, u_w1, u_b1, u_w2, u_b2):
  nblk = B // _TB
  row_spec = pl.BlockSpec((_TB, D), lambda i: (i, 0))
  full = lambda shape: pl.BlockSpec(shape, lambda i: tuple(0 for _ in shape))
  return pl.pallas_call(
      _towers_kernel,
      grid=(nblk,),
      in_specs=[row_spec, row_spec, row_spec, row_spec,
                full((3 * D, HID)), full((1, HID)), full((HID, D)),
                full((1, D)), full((D, HID)), full((1, HID)),
                full((HID, D)), full((1, D))],
      out_specs=[row_spec, row_spec],
      out_shape=[jax.ShapeDtypeStruct((B, D), jnp.bfloat16),
                 jax.ShapeDtypeStruct((B, D), jnp.bfloat16)],
  )(g_ad, g_cate, g_camp, g_user, ad_w1, ad_b1, ad_w2, ad_b2,
    u_w1, u_b1, u_w2, u_b2)



_MB = 512
_MN = 2048


def _mask_kernel(pref, aid_col, uid_col, aid_row, uid_row,
                 colmask_out, rf_out, acc):
  i = pl.program_id(0)
  nblk = pl.num_programs(0)
  pcnt = pref[0]

  @pl.when(i == 0)
  def _():
    acc[...] = jnp.zeros_like(acc)

  @pl.when(i * _MB < pcnt)
  def _():
    r_id = i * _MB + lax.broadcasted_iota(jnp.int32, (_MB, 1), 0)
    is_pos_col = r_id < pcnt
    aid_c = aid_col[...]
    uid_c = uid_col[...]

    def body(j, same_cnt):
      cols = pl.ds(j * _MN, _MN)
      c_id = j * _MN + lax.broadcasted_iota(jnp.int32, (1, _MN), 1)
      is_neg_chunk = c_id >= pcnt
      hit = jnp.where((aid_c == aid_row[0, cols][None, :]) & is_pos_col,
                      1.0, 0.0)
      acc[:, cols] += jnp.sum(hit, axis=0, keepdims=True)
      same = jnp.where((uid_c == uid_row[0, cols][None, :]) & is_neg_chunk,
                       1.0, 0.0)
      return same_cnt + jnp.sum(same, axis=1, keepdims=True)

    j0 = pcnt // _MN
    same_cnt = lax.fori_loop(j0, B // _MN, body,
                             jnp.zeros((_MB, 1), jnp.float32))
    rf_out[...] = jnp.where(same_cnt == 0.0, 1.0, 0.0)

  @pl.when(i == nblk - 1)
  def _():
    c_id = lax.broadcasted_iota(jnp.int32, (1, B), 1)
    colmask_out[...] = jnp.where((c_id >= pcnt) & (acc[...] == 0.0), 1.0, 0.0)


def _mask_vectors(pcnt, aid_col, uid_col, aid_row, uid_row):
  nblk = B // _MB
  col_spec = pl.BlockSpec((_MB, 1), lambda i, s: (i, 0))
  row_spec = pl.BlockSpec((1, B), lambda i, s: (0, 0))
  grid_spec = pltpu.PrefetchScalarGridSpec(
      num_scalar_prefetch=1,
      grid=(nblk,),
      in_specs=[col_spec, col_spec, row_spec, row_spec],
      out_specs=[row_spec, col_spec],
      scratch_shapes=[pltpu.VMEM((1, B), jnp.float32)],
  )
  return pl.pallas_call(
      _mask_kernel,
      grid_spec=grid_spec,
      out_shape=[jax.ShapeDtypeStruct((1, B), jnp.float32),
                 jax.ShapeDtypeStruct((B, 1), jnp.float32)],
  )(pcnt, aid_col, uid_col, aid_row, uid_row)



_LB = 512
_LN = 2048


def _loss_kernel(pref, u_blk, ad_full, uid_col, logq_col, rf_col,
                 uid_row, colmask_row, logq_row,
                 out, acc_loss):
  i = pl.program_id(0)
  nblk = pl.num_programs(0)
  f32 = jnp.float32
  pcnt = pref[0]

  @pl.when(i == 0)
  def _():
    acc_loss[0, 0] = 0.0

  @pl.when(i * _LB < pcnt)
  def _():
    u = u_blk[...]
    ad_slab = ad_full[pl.ds(i * _LB, _LB), :]
    diag = jnp.sum(u.astype(f32) * ad_slab.astype(f32), axis=1,
                   keepdims=True)
    pos_logit = diag - logq_col[...]

    uid_c = uid_col[...]
    rf = rf_col[...] > 0.0

    def body(j, carry):
      m, s = carry
      cols = pl.ds(j * _LN, _LN)
      a_chunk = ad_full[cols, :]
      logits = lax.dot_general(u, a_chunk, (((1,), (1,)), ((), ())),
                               preferred_element_type=f32)
      nl = logits - logq_row[0, cols][None, :]
      maskc = (colmask_row[0, cols][None, :] > 0.0) & \
          ((uid_c == uid_row[0, cols][None, :]) | rf)
      nl = jnp.where(maskc, nl, BIG_NEG)
      cm = jnp.max(nl, axis=1, keepdims=True)
      m2 = jnp.maximum(m, cm)
      e = jnp.exp(nl - m2)
      s2 = s * jnp.exp(m - m2) + jnp.sum(e, axis=1, keepdims=True)
      return m2, s2

    m0 = jnp.full((_LB, 1), BIG_NEG, dtype=f32)
    s0 = jnp.zeros((_LB, 1), dtype=f32)
    j0 = pcnt // _LN
    m, s = lax.fori_loop(j0, B // _LN, body, (m0, s0))

    m2 = jnp.maximum(m, pos_logit)
    s2 = s * jnp.exp(m - m2) + jnp.exp(pos_logit - m2)
    lse = m2 + jnp.log(s2)
    r_id = i * _LB + lax.broadcasted_iota(jnp.int32, (_LB, 1), 0)
    loss_rows = jnp.where(r_id < pcnt, lse - pos_logit, 0.0)
    acc_loss[0, 0] += jnp.sum(loss_rows)

  @pl.when(i == nblk - 1)
  def _():
    out[...] = jnp.full((1, 1), acc_loss[0, 0] / pcnt.astype(f32), dtype=f32)


def _loss(pcnt, u_emb, ad_emb, uid_col, logq_col, rf_col,
          uid_row, colmask_row, logq_row):
  nblk = B // _LB
  col_spec = pl.BlockSpec((_LB, 1), lambda i, s: (i, 0))
  row_spec = pl.BlockSpec((1, B), lambda i, s: (0, 0))
  grid_spec = pltpu.PrefetchScalarGridSpec(
      num_scalar_prefetch=1,
      grid=(nblk,),
      in_specs=[pl.BlockSpec((_LB, D), lambda i, s: (i, 0)),
                pl.BlockSpec((B, D), lambda i, s: (0, 0)),
                col_spec, col_spec, col_spec,
                row_spec, row_spec, row_spec],
      out_specs=pl.BlockSpec((1, 1), lambda i, s: (0, 0)),
      scratch_shapes=[pltpu.SMEM((1, 1), jnp.float32)],
  )
  return pl.pallas_call(
      _loss_kernel,
      grid_spec=grid_spec,
      out_shape=jax.ShapeDtypeStruct((1, 1), jnp.float32),
  )(pcnt, u_emb, ad_emb, uid_col, logq_col, rf_col,
    uid_row, colmask_row, logq_row)



@jax.jit
def kernel(adgroup_id, cate_id, campaign_id, user_id, is_click, q_proba,
           emb_adgroup, emb_cate, emb_campaign, emb_user,
           ad_w1, ad_b1, ad_w2, ad_b2, u_w1, u_b1, u_w2, u_b2):
  i32 = jnp.int32
  f32 = jnp.float32
  ids = [adgroup_id.astype(i32), cate_id.astype(i32),
         campaign_id.astype(i32), user_id.astype(i32)]
  iscl = is_click.astype(i32)

  dest2d, pcnt2d, logq2d = _dest(iscl.reshape(SQ, SQ),
                                 q_proba.reshape(SQ, SQ))
  dest = dest2d.reshape(B)
  pcnt = pcnt2d.reshape(1)
  logq = logq2d.reshape(B, 1)

  pack = jnp.concatenate(
      [ids[3].astype(f32).reshape(B, 1),
       ids[0].astype(f32).reshape(B, 1),
       logq,
       jnp.zeros((B, _PK - 3), f32)], axis=1)

  pack_c = _sc_pack(pack, dest)
  g_ad, g_cate, g_camp, g_user = _gather4(
      [emb_adgroup, emb_cate, emb_campaign, emb_user], ids, dest)

  uid_c = pack_c[:, 0].astype(i32)
  aid_c = pack_c[:, 1].astype(i32)
  logq_c = pack_c[:, 2]

  colmask_row, rf_col = _mask_vectors(
      pcnt, aid_c.reshape(B, 1), uid_c.reshape(B, 1),
      aid_c.reshape(1, B), uid_c.reshape(1, B))

  ad_emb, u_emb = _towers(g_ad, g_cate, g_camp, g_user,
                          ad_w1, ad_b1.reshape(1, HID), ad_w2,
                          ad_b2.reshape(1, D), u_w1, u_b1.reshape(1, HID),
                          u_w2, u_b2.reshape(1, D))

  res = _loss(pcnt, u_emb, ad_emb, uid_c.reshape(B, 1),
              logq_c.reshape(B, 1), rf_col, uid_c.reshape(1, B),
              colmask_row, logq_c.reshape(1, B))
  return res.reshape(())

# --- scband reference (transcript-rebuilt; emitter-appended) ---
"""Pipeline reference for scband-two-tower-model-91147795956163 (READ-ONLY COPY).

The authoritative reference and input builder live on the scoring server;
editing this copy changes nothing except your own understanding.
"""

import jax, jax.numpy as jnp
import numpy as np

B = 16384
D = 128
HID = 256
V_ADGROUP = 100000
V_CATE = 10000
V_CAMPAIGN = 50000
N_USERS = 100000


def setup_inputs(seed: int = 0) -> dict:
    key = jax.random.key(seed)
    ks = jax.random.split(key, 18)
    inp = {}
    inp['adgroup_id'] = jax.random.randint(ks[0], (B,), 0, V_ADGROUP)
    inp['cate_id'] = jax.random.randint(ks[1], (B,), 0, V_CATE)
    inp['campaign_id'] = jax.random.randint(ks[2], (B,), 0, V_CAMPAIGN)
    inp['user_id'] = jax.random.randint(ks[3], (B,), 0, N_USERS)
    inp['is_click'] = jax.random.randint(ks[4], (B,), 0, 2).astype(jnp.int32)
    inp['q_proba'] = jax.random.uniform(ks[5], (B,), dtype=jnp.float32)
    inp['emb_adgroup'] = jax.random.normal(ks[6], (V_ADGROUP, D), dtype=jnp.float32) * 0.01
    inp['emb_cate'] = jax.random.normal(ks[7], (V_CATE, D), dtype=jnp.float32) * 0.01
    inp['emb_campaign'] = jax.random.normal(ks[8], (V_CAMPAIGN, D), dtype=jnp.float32) * 0.01
    inp['emb_user'] = jax.random.normal(ks[9], (N_USERS, D), dtype=jnp.float32) * 0.01
    inp['ad_w1'] = jax.random.normal(ks[10], (3 * D, HID), dtype=jnp.float32) * (1.0 / np.sqrt(3 * D))
    inp['ad_b1'] = jnp.zeros((HID,), dtype=jnp.float32)
    inp['ad_w2'] = jax.random.normal(ks[11], (HID, D), dtype=jnp.float32) * (1.0 / np.sqrt(HID))
    inp['ad_b2'] = jnp.zeros((D,), dtype=jnp.float32)
    inp['u_w1'] = jax.random.normal(ks[12], (D, HID), dtype=jnp.float32) * (1.0 / np.sqrt(D))
    inp['u_b1'] = jnp.zeros((HID,), dtype=jnp.float32)
    inp['u_w2'] = jax.random.normal(ks[13], (HID, D), dtype=jnp.float32) * (1.0 / np.sqrt(HID))
    inp['u_b2'] = jnp.zeros((D,), dtype=jnp.float32)
    return inp


def reference(adgroup_id, cate_id, campaign_id, user_id, is_click, q_proba,
              emb_adgroup, emb_cate, emb_campaign, emb_user,
              ad_w1, ad_b1, ad_w2, ad_b2, u_w1, u_b1, u_w2, u_b2):
    # AdTower: per-feature embedding lookup -> concat -> MLP -> embedding_dim
    ad_in = jnp.concatenate([
        jnp.take(emb_adgroup, adgroup_id, axis=0),
        jnp.take(emb_cate, cate_id, axis=0),
        jnp.take(emb_campaign, campaign_id, axis=0),
    ], axis=-1)
    ad_embedding = jax.nn.relu(ad_in @ ad_w1 + ad_b1) @ ad_w2 + ad_b2
    # UserIdTower: id embedding -> MLP
    user_embedding = jax.nn.relu(jnp.take(emb_user, user_id, axis=0) @ u_w1 + u_b1) @ u_w2 + u_b2
    # split positives / negatives by click label
    n = is_click.shape[0]
    pos_count = jnp.sum(is_click == 1)
    pos_idx = jnp.nonzero(is_click == 1, size=n, fill_value=0)[0]
    neg_idx = jnp.nonzero(is_click != 1, size=n, fill_value=0)[0]
    slot = jnp.arange(n)
    pos_valid = slot < pos_count
    neg_valid = slot < (n - pos_count)
    pos_emb = jnp.take(user_embedding, pos_idx, axis=0)
    target_emb = jnp.take(ad_embedding, pos_idx, axis=0)
    neg_emb = jnp.take(ad_embedding, neg_idx, axis=0)
    ad_ids = adgroup_id.astype(jnp.int32)
    user_ids = user_id.astype(jnp.int32)
    valid2d = pos_valid[:, None] & neg_valid[None, :]
    miss = ad_ids[pos_idx][:, None] != ad_ids[neg_idx][None, :]
    same_user = user_ids[pos_idx][:, None] == user_ids[neg_idx][None, :]
    same_user = same_user & valid2d
    same_user = same_user | (same_user.sum(axis=1) == 0)[:, None]
    col_all_miss = (((~miss) & valid2d).sum(axis=0) == 0)[None, :]
    miss = (miss & same_user & col_all_miss & valid2d).astype(jnp.float32)
    # SampledSoftmaxLoss with logQ correction and pos/neg validity mask
    pos_q = jnp.clip(q_proba[pos_idx], 1e-6, None)
    neg_q = jnp.clip(q_proba[neg_idx], 1e-6, None)
    pos_logits = jnp.sum(pos_emb * target_emb, axis=-1) - jnp.log(pos_q)
    neg_logits = pos_emb @ neg_emb.T - jnp.log(neg_q)[None, :]
    neg_logits = jnp.where(miss > 0, neg_logits, jnp.float32(-1e30))
    all_logits = jnp.concatenate([pos_logits[:, None], neg_logits], axis=1)
    loss = -(pos_logits - jax.nn.logsumexp(all_logits, axis=1))
    loss = jnp.where(pos_valid, loss, jnp.float32(0.0))
    return jnp.sum(loss) / pos_count.astype(jnp.float32)

if __name__ == "__main__":
    import jax
    _d = setup_inputs()
    print(jax.jit(kernel)(*tuple(_d.values())))

</pallas_src>

<mosaic_0001>
#map = affine_map<(d0, d1) -> (0, 0)>
#map1 = affine_map<(d0, d1) -> (0)>
module attributes {stable_mosaic.version = 14 : i64} {
  func.func @_sc_gather4_kernel(%arg0: i32, %arg1: i32, %arg2: memref<100000x128xf32, #tpu.memory_space<hbm>>, %arg3: memref<10000x128xf32, #tpu.memory_space<hbm>>, %arg4: memref<50000x128xf32, #tpu.memory_space<hbm>>, %arg5: memref<100000x128xf32, #tpu.memory_space<hbm>>, %arg6: memref<16384xi32, #tpu.memory_space<hbm>>, %arg7: memref<16384xi32, #tpu.memory_space<hbm>>, %arg8: memref<16384xi32, #tpu.memory_space<hbm>>, %arg9: memref<16384xi32, #tpu.memory_space<hbm>>, %arg10: memref<16384xi32, #tpu.memory_space<hbm>>, %arg11: memref<16384x128xf32, #tpu.memory_space<hbm>>, %arg12: memref<16384x128xf32, #tpu.memory_space<hbm>>, %arg13: memref<16384x128xf32, #tpu.memory_space<hbm>>, %arg14: memref<16384x128xf32, #tpu.memory_space<hbm>>, %arg15: memref<512xi32, #tpu.memory_space<vmem>>, %arg16: memref<512xi32, #tpu.memory_space<vmem>>, %arg17: memref<512x128xf32, #tpu.memory_space<vmem>>, %arg18: memref<!tpu.dma_semaphore, #tpu.memory_space<semaphore_mem>>) attributes {dimension_semantics = [#tpu.dimension_semantics<core_parallel>, #tpu.dimension_semantics<subcore_parallel>], iteration_bounds = array<i64: 2, 16>, scalar_prefetch = 0 : i64, scratch_operands = 4 : i64, tpu.core_type = #tpu.core_type<sc_vector_subcore>, window_params = [{transform_indices = #map}, {transform_indices = #map}, {transform_indices = #map}, {transform_indices = #map}, {transform_indices = #map1}, {transform_indices = #map1}, {transform_indices = #map1}, {transform_indices = #map1}, {transform_indices = #map1}, {transform_indices = #map}, {transform_indices = #map}, {transform_indices = #map}, {transform_indices = #map}]} {
    %mul3A = arith.constant 2 : i32
    %mul3A_0 = arith.muli %arg1, %mul3A : i32
    %add3A = arith.addi %mul3A_0, %arg0 : i32
    %mul3A_1 = arith.constant 512 : i32
    %mul3A_2 = arith.muli %add3A, %mul3A_1 : i32
    "tpu.region"() ({
      %run_scoped3A = tpu.sem_alloc : memref<!tpu.dma_semaphore, #tpu.memory_space<semaphore_mem>>
      %dma_start3A_25 = tpu.memref_slice %arg10[%mul3A_2] : memref<16384xi32, #tpu.memory_space<hbm>> -> memref<512xi32, #tpu.memory_space<hbm>>
      %dma_start3A_26 = tpu.memref_slice %arg10[%mul3A_2] : memref<16384xi32, #tpu.memory_space<hbm>> -> memref<512xi32, #tpu.memory_space<hbm>>
      tpu.enqueue_dma source(%dma_start3A_26 : memref<512xi32, #tpu.memory_space<hbm>>) target(%arg16 : memref<512xi32, #tpu.memory_space<vmem>>) target_semaphore(%run_scoped3A : memref<!tpu.dma_semaphore, #tpu.memory_space<semaphore_mem>>)
      %dma_wait3A_27 = tpu.memref_slice %arg10[%mul3A_2] : memref<16384xi32, #tpu.memory_space<hbm>> -> memref<512xi32, #tpu.memory_space<hbm>>
      %dma_wait3A_28 = tpu.memref_slice %arg10[%mul3A_2] : memref<16384xi32, #tpu.memory_space<hbm>> -> memref<512xi32, #tpu.memory_space<hbm>>
      tpu.wait_dma2 semaphore(%run_scoped3A : memref<!tpu.dma_semaphore, #tpu.memory_space<semaphore_mem>>) src(%dma_wait3A_28 : memref<512xi32, #tpu.memory_space<hbm>>) dst(%arg16 : memref<512xi32, #tpu.memory_space<vmem>>)
      tpu.yield
    }) : () -> ()
    "tpu.region"() ({
      %run_scoped3A = tpu.sem_alloc : memref<!tpu.dma_semaphore, #tpu.memory_space<semaphore_mem>>
      %dma_start3A_25 = tpu.memref_slice %arg6[%mul3A_2] : memref<16384xi32, #tpu.memory_space<hbm>> -> memref<512xi32, #tpu.memory_space<hbm>>
      %dma_start3A_26 = tpu.memref_slice %arg6[%mul3A_2] : memref<16384xi32, #tpu.memory_space<hbm>> -> memref<512xi32, #tpu.memory_space<hbm>>
      tpu.enqueue_dma source(%dma_start3A_26 : memref<512xi32, #tpu.memory_space<hbm>>) target(%arg15 : memref<512xi32, #tpu.memory_space<vmem>>) target_semaphore(%run_scoped3A : memref<!tpu.dma_semaphore, #tpu.memory_space<semaphore_mem>>)
      %dma_wait3A_27 = tpu.memref_slice %arg6[%mul3A_2] : memref<16384xi32, #tpu.memory_space<hbm>> -> memref<512xi32, #tpu.memory_space<hbm>>
      %dma_wait3A_28 = tpu.memref_slice %arg6[%mul3A_2] : memref<16384xi32, #tpu.memory_space<hbm>> -> memref<512xi32, #tpu.memory_space<hbm>>
      tpu.wait_dma2 semaphore(%run_scoped3A : memref<!tpu.dma_semaphore, #tpu.memory_space<semaphore_mem>>) src(%dma_wait3A_28 : memref<512xi32, #tpu.memory_space<hbm>>) dst(%arg15 : memref<512xi32, #tpu.memory_space<vmem>>)
      tpu.yield
    }) : () -> ()
    %dma_start3A = arith.constant 0 : i32
    %dma_start3A_3 = arith.constant 0 : i32
    %dma_start3A_4 = tpu.memref_slice %arg2[%dma_start3A, %dma_start3A_3] : memref<100000x128xf32, #tpu.memory_space<hbm>> -> memref<100000x128xf32, #tpu.memory_space<hbm>>
    tpu.enqueue_indirect_dma source(%dma_start3A_4 : memref<100000x128xf32, #tpu.memory_space<hbm>>) target(%arg17 : memref<512x128xf32, #tpu.memory_space<vmem>>) offsets(%arg15 : memref<512xi32, #tpu.memory_space<vmem>>) semaphore(%arg18 : memref<!tpu.dma_semaphore, #tpu.memory_space<semaphore_mem>>)
    %dma_wait3A = arith.constant 0 : i32
    %dma_wait3A_5 = arith.constant 0 : i32
    %dma_wait3A_6 = tpu.memref_slice %arg2[%dma_wait3A, %dma_wait3A_5] : memref<100000x128xf32, #tpu.memory_space<hbm>> -> memref<100000x128xf32, #tpu.memory_space<hbm>>
    tpu.wait_indirect_dma semaphore(%arg18 : memref<!tpu.dma_semaphore, #tpu.memory_space<semaphore_mem>>) src(%dma_wait3A_6 : memref<100000x128xf32, #tpu.memory_space<hbm>>) dst(%arg17 : memref<512x128xf32, #tpu.memory_space<vmem>>)
    "tpu.region"() ({
      %run_scoped3A = tpu.sem_alloc : memref<!tpu.dma_semaphore, #tpu.memory_space<semaphore_mem>>
      %dma_start3A_25 = arith.constant 0 : i32
      %dma_start3A_26 = arith.constant 0 : i32
      %dma_start3A_27 = tpu.memref_slice %arg11[%dma_start3A_25, %dma_start3A_26] : memref<16384x128xf32, #tpu.memory_space<hbm>> -> memref<16384x128xf32, #tpu.memory_space<hbm>>
      tpu.enqueue_indirect_dma source(%arg17 : memref<512x128xf32, #tpu.memory_space<vmem>>) target(%dma_start3A_27 : memref<16384x128xf32, #tpu.memory_space<hbm>>) offsets(%arg16 : memref<512xi32, #tpu.memory_space<vmem>>) semaphore(%run_scoped3A : memref<!tpu.dma_semaphore, #tpu.memory_space<semaphore_mem>>)
      %dma_wait3A_28 = arith.constant 0 : i32
      %dma_wait3A_29 = arith.constant 0 : i32
      %dma_wait3A_30 = tpu.memref_slice %arg11[%dma_wait3A_28, %dma_wait3A_29] : memref<16384x128xf32, #tpu.memory_space<hbm>> -> memref<16384x128xf32, #tpu.memory_space<hbm>>
      tpu.wait_indirect_dma semaphore(%run_scoped3A : memref<!tpu.dma_semaphore, #tpu.memory_space<semaphore_mem>>) src(%arg17 : memref<512x128xf32, #tpu.memory_space<vmem>>) dst(%dma_wait3A_30 : memref<16384x128xf32, #tpu.memory_space<hbm>>)
      tpu.yield
    }) : () -> ()
    "tpu.region"() ({
      %run_scoped3A = tpu.sem_alloc : memref<!tpu.dma_semaphore, #tpu.memory_space<semaphore_mem>>
      %dma_start3A_25 = tpu.memref_slice %arg7[%mul3A_2] : memref<16384xi32, #tpu.memory_space<hbm>> -> memref<512xi32, #tpu.memory_space<hbm>>
      %dma_start3A_26 = tpu.memref_slice %arg7[%mul3A_2] : memref<16384xi32, #tpu.memory_space<hbm>> -> memref<512xi32, #tpu.memory_space<hbm>>
      tpu.enqueue_dma source(%dma_start3A_26 : memref<512xi32, #tpu.memory_space<hbm>>) target(%arg15 : memref<512xi32, #tpu.memory_space<vmem>>) target_semaphore(%run_scoped3A : memref<!tpu.dma_semaphore, #tpu.memory_space<semaphore_mem>>)
      %dma_wait3A_27 = tpu.memref_slice %arg7[%mul3A_2] : memref<16384xi32, #tpu.memory_space<hbm>> -> memref<512xi32, #tpu.memory_space<hbm>>
      %dma_wait3A_28 = tpu.memref_slice %arg7[%mul3A_2] : memref<16384xi32, #tpu.memory_space<hbm>> -> memref<512xi32, #tpu.memory_space<hbm>>
      tpu.wait_dma2 semaphore(%run_scoped3A : memref<!tpu.dma_semaphore, #tpu.memory_space<semaphore_mem>>) src(%dma_wait3A_28 : memref<512xi32, #tpu.memory_space<hbm>>) dst(%arg15 : memref<512xi32, #tpu.memory_space<vmem>>)
      tpu.yield
    }) : () -> ()
    %dma_start3A_7 = arith.constant 0 : i32
    %dma_start3A_8 = arith.constant 0 : i32
    %dma_start3A_9 = tpu.memref_slice %arg3[%dma_start3A_7, %dma_start3A_8] : memref<10000x128xf32, #tpu.memory_space<hbm>> -> memref<10000x128xf32, #tpu.memory_space<hbm>>
    tpu.enqueue_indirect_dma source(%dma_start3A_9 : memref<10000x128xf32, #tpu.memory_space<hbm>>) target(%arg17 : memref<512x128xf32, #tpu.memory_space<vmem>>) offsets(%arg15 : memref<512xi32, #tpu.memory_space<vmem>>) semaphore(%arg18 : memref<!tpu.dma_semaphore, #tpu.memory_space<semaphore_mem>>)
    %dma_wait3A_10 = arith.constant 0 : i32
    %dma_wait3A_11 = arith.constant 0 : i32
    %dma_wait3A_12 = tpu.memref_slice %arg3[%dma_wait3A_10, %dma_wait3A_11] : memref<10000x128xf32, #tpu.memory_space<hbm>> -> memref<10000x128xf32, #tpu.memory_space<hbm>>
    tpu.wait_indirect_dma semaphore(%arg18 : memref<!tpu.dma_semaphore, #tpu.memory_space<semaphore_mem>>) src(%dma_wait3A_12 : memref<10000x128xf32, #tpu.memory_space<hbm>>) dst(%arg17 : memref<512x128xf32, #tpu.memory_space<vmem>>)
    "tpu.region"() ({
      %run_scoped3A = tpu.sem_alloc : memref<!tpu.dma_semaphore, #tpu.memory_space<semaphore_mem>>
      %dma_start3A_25 = arith.constant 0 : i32
      %dma_start3A_26 = arith.constant 0 : i32
      %dma_start3A_27 = tpu.memref_slice %arg12[%dma_start3A_25, %dma_start3A_26] : memref<16384x128xf32, #tpu.memory_space<hbm>> -> memref<16384x128xf32, #tpu.memory_space<hbm>>
      tpu.enqueue_indirect_dma source(%arg17 : memref<512x128xf32, #tpu.memory_space<vmem>>) target(%dma_start3A_27 : memref<16384x128xf32, #tpu.memory_space<hbm>>) offsets(%arg16 : memref<512xi32, #tpu.memory_space<vmem>>) semaphore(%run_scoped3A : memref<!tpu.dma_semaphore, #tpu.memory_space<semaphore_mem>>)
      %dma_wait3A_28 = arith.constant 0 : i32
      %dma_wait3A_29 = arith.constant 0 : i32
      %dma_wait3A_30 = tpu.memref_slice %arg12[%dma_wait3A_28, %dma_wait3A_29] : memref<16384x128xf32, #tpu.memory_space<hbm>> -> memref<16384x128xf32, #tpu.memory_space<hbm>>
      tpu.wait_indirect_dma semaphore(%run_scoped3A : memref<!tpu.dma_semaphore, #tpu.memory_space<semaphore_mem>>) src(%arg17 : memref<512x128xf32, #tpu.memory_space<vmem>>) dst(%dma_wait3A_30 : memref<16384x128xf32, #tpu.memory_space<hbm>>)
      tpu.yield
    }) : () -> ()
    "tpu.region"() ({
      %run_scoped3A = tpu.sem_alloc : memref<!tpu.dma_semaphore, #tpu.memory_space<semaphore_mem>>
      %dma_start3A_25 = tpu.memref_slice %arg8[%mul3A_2] : memref<16384xi32, #tpu.memory_space<hbm>> -> memref<512xi32, #tpu.memory_space<hbm>>
      %dma_start3A_26 = tpu.memref_slice %arg8[%mul3A_2] : memref<16384xi32, #tpu.memory_space<hbm>> -> memref<512xi32, #tpu.memory_space<hbm>>
      tpu.enqueue_dma source(%dma_start3A_26 : memref<512xi32, #tpu.memory_space<hbm>>) target(%arg15 : memref<512xi32, #tpu.memory_space<vmem>>) target_semaphore(%run_scoped3A : memref<!tpu.dma_semaphore, #tpu.memory_space<semaphore_mem>>)
      %dma_wait3A_27 = tpu.memref_slice %arg8[%mul3A_2] : memref<16384xi32, #tpu.memory_space<hbm>> -> memref<512xi32, #tpu.memory_space<hbm>>
      %dma_wait3A_28 = tpu.memref_slice %arg8[%mul3A_2] : memref<16384xi32, #tpu.memory_space<hbm>> -> memref<512xi32, #tpu.memory_space<hbm>>
      tpu.wait_dma2 semaphore(%run_scoped3A : memref<!tpu.dma_semaphore, #tpu.memory_space<semaphore_mem>>) src(%dma_wait3A_28 : memref<512xi32, #tpu.memory_space<hbm>>) dst(%arg15 : memref<512xi32, #tpu.memory_space<vmem>>)
      tpu.yield
    }) : () -> ()
    %dma_start3A_13 = arith.constant 0 : i32
    %dma_start3A_14 = arith.constant 0 : i32
    %dma_start3A_15 = tpu.memref_slice %arg4[%dma_start3A_13, %dma_start3A_14] : memref<50000x128xf32, #tpu.memory_space<hbm>> -> memref<50000x128xf32, #tpu.memory_space<hbm>>
    tpu.enqueue_indirect_dma source(%dma_start3A_15 : memref<50000x128xf32, #tpu.memory_space<hbm>>) target(%arg17 : memref<512x128xf32, #tpu.memory_space<vmem>>) offsets(%arg15 : memref<512xi32, #tpu.memory_space<vmem>>) semaphore(%arg18 : memref<!tpu.dma_semaphore, #tpu.memory_space<semaphore_mem>>)
    %dma_wait3A_16 = arith.constant 0 : i32
    %dma_wait3A_17 = arith.constant 0 : i32
    %dma_wait3A_18 = tpu.memref_slice %arg4[%dma_wait3A_16, %dma_wait3A_17] : memref<50000x128xf32, #tpu.memory_space<hbm>> -> memref<50000x128xf32, #tpu.memory_space<hbm>>
    tpu.wait_indirect_dma semaphore(%arg18 : memref<!tpu.dma_semaphore, #tpu.memory_space<semaphore_mem>>) src(%dma_wait3A_18 : memref<50000x128xf32, #tpu.memory_space<hbm>>) dst(%arg17 : memref<512x128xf32, #tpu.memory_space<vmem>>)
    "tpu.region"() ({
      %run_scoped3A = tpu.sem_alloc : memref<!tpu.dma_semaphore, #tpu.memory_space<semaphore_mem>>
      %dma_start3A_25 = arith.constant 0 : i32
      %dma_start3A_26 = arith.constant 0 : i32
      %dma_start3A_27 = tpu.memref_slice %arg13[%dma_start3A_25, %dma_start3A_26] : memref<16384x128xf32, #tpu.memory_space<hbm>> -> memref<16384x128xf32, #tpu.memory_space<hbm>>
      tpu.enqueue_indirect_dma source(%arg17 : memref<512x128xf32, #tpu.memory_space<vmem>>) target(%dma_start3A_27 : memref<16384x128xf32, #tpu.memory_space<hbm>>) offsets(%arg16 : memref<512xi32, #tpu.memory_space<vmem>>) semaphore(%run_scoped3A : memref<!tpu.dma_semaphore, #tpu.memory_space<semaphore_mem>>)
      %dma_wait3A_28 = arith.constant 0 : i32
      %dma_wait3A_29 = arith.constant 0 : i32
      %dma_wait3A_30 = tpu.memref_slice %arg13[%dma_wait3A_28, %dma_wait3A_29] : memref<16384x128xf32, #tpu.memory_space<hbm>> -> memref<16384x128xf32, #tpu.memory_space<hbm>>
      tpu.wait_indirect_dma semaphore(%run_scoped3A : memref<!tpu.dma_semaphore, #tpu.memory_space<semaphore_mem>>) src(%arg17 : memref<512x128xf32, #tpu.memory_space<vmem>>) dst(%dma_wait3A_30 : memref<16384x128xf32, #tpu.memory_space<hbm>>)
      tpu.yield
    }) : () -> ()
    "tpu.region"() ({
      %run_scoped3A = tpu.sem_alloc : memref<!tpu.dma_semaphore, #tpu.memory_space<semaphore_mem>>
      %dma_start3A_25 = tpu.memref_slice %arg9[%mul3A_2] : memref<16384xi32, #tpu.memory_space<hbm>> -> memref<512xi32, #tpu.memory_space<hbm>>
      %dma_start3A_26 = tpu.memref_slice %arg9[%mul3A_2] : memref<16384xi32, #tpu.memory_space<hbm>> -> memref<512xi32, #tpu.memory_space<hbm>>
      tpu.enqueue_dma source(%dma_start3A_26 : memref<512xi32, #tpu.memory_space<hbm>>) target(%arg15 : memref<512xi32, #tpu.memory_space<vmem>>) target_semaphore(%run_scoped3A : memref<!tpu.dma_semaphore, #tpu.memory_space<semaphore_mem>>)
      %dma_wait3A_27 = tpu.memref_slice %arg9[%mul3A_2] : memref<16384xi32, #tpu.memory_space<hbm>> -> memref<512xi32, #tpu.memory_space<hbm>>
      %dma_wait3A_28 = tpu.memref_slice %arg9[%mul3A_2] : memref<16384xi32, #tpu.memory_space<hbm>> -> memref<512xi32, #tpu.memory_space<hbm>>
      tpu.wait_dma2 semaphore(%run_scoped3A : memref<!tpu.dma_semaphore, #tpu.memory_space<semaphore_mem>>) src(%dma_wait3A_28 : memref<512xi32, #tpu.memory_space<hbm>>) dst(%arg15 : memref<512xi32, #tpu.memory_space<vmem>>)
      tpu.yield
    }) : () -> ()
    %dma_start3A_19 = arith.constant 0 : i32
    %dma_start3A_20 = arith.constant 0 : i32
    %dma_start3A_21 = tpu.memref_slice %arg5[%dma_start3A_19, %dma_start3A_20] : memref<100000x128xf32, #tpu.memory_space<hbm>> -> memref<100000x128xf32, #tpu.memory_space<hbm>>
    tpu.enqueue_indirect_dma source(%dma_start3A_21 : memref<100000x128xf32, #tpu.memory_space<hbm>>) target(%arg17 : memref<512x128xf32, #tpu.memory_space<vmem>>) offsets(%arg15 : memref<512xi32, #tpu.memory_space<vmem>>) semaphore(%arg18 : memref<!tpu.dma_semaphore, #tpu.memory_space<semaphore_mem>>)
    %dma_wait3A_22 = arith.constant 0 : i32
    %dma_wait3A_23 = arith.constant 0 : i32
    %dma_wait3A_24 = tpu.memref_slice %arg5[%dma_wait3A_22, %dma_wait3A_23] : memref<100000x128xf32, #tpu.memory_space<hbm>> -> memref<100000x128xf32, #tpu.memory_space<hbm>>
    tpu.wait_indirect_dma semaphore(%arg18 : memref<!tpu.dma_semaphore, #tpu.memory_space<semaphore_mem>>) src(%dma_wait3A_24 : memref<100000x128xf32, #tpu.memory_space<hbm>>) dst(%arg17 : memref<512x128xf32, #tpu.memory_space<vmem>>)
    "tpu.region"() ({
      %run_scoped3A = tpu.sem_alloc : memref<!tpu.dma_semaphore, #tpu.memory_space<semaphore_mem>>
      %dma_start3A_25 = arith.constant 0 : i32
      %dma_start3A_26 = arith.constant 0 : i32
      %dma_start3A_27 = tpu.memref_slice %arg14[%dma_start3A_25, %dma_start3A_26] : memref<16384x128xf32, #tpu.memory_space<hbm>> -> memref<16384x128xf32, #tpu.memory_space<hbm>>
      tpu.enqueue_indirect_dma source(%arg17 : memref<512x128xf32, #tpu.memory_space<vmem>>) target(%dma_start3A_27 : memref<16384x128xf32, #tpu.memory_space<hbm>>) offsets(%arg16 : memref<512xi32, #tpu.memory_space<vmem>>) semaphore(%run_scoped3A : memref<!tpu.dma_semaphore, #tpu.memory_space<semaphore_mem>>)
      %dma_wait3A_28 = arith.constant 0 : i32
      %dma_wait3A_29 = arith.constant 0 : i32
      %dma_wait3A_30 = tpu.memref_slice %arg14[%dma_wait3A_28, %dma_wait3A_29] : memref<16384x128xf32, #tpu.memory_space<hbm>> -> memref<16384x128xf32, #tpu.memory_space<hbm>>
      tpu.wait_indirect_dma semaphore(%run_scoped3A : memref<!tpu.dma_semaphore, #tpu.memory_space<semaphore_mem>>) src(%arg17 : memref<512x128xf32, #tpu.memory_space<vmem>>) dst(%dma_wait3A_30 : memref<16384x128xf32, #tpu.memory_space<hbm>>)
      tpu.yield
    }) : () -> ()
    return
  }
}

#map = affine_map<(d0, d1) -> (0, 0)>
#map1 = affine_map<(d0, d1) -> (0)>
module attributes {stable_mosaic.version = 14 : i64} {
  func.func @_sc_pack_kernel(%arg0: i32, %arg1: i32, %arg2: memref<16384x128xf32, #tpu.memory_space<hbm>>, %arg3: memref<16384xi32, #tpu.memory_space<hbm>>, %arg4: memref<16384x128xf32, #tpu.memory_space<hbm>>, %arg5: memref<512xi32, #tpu.memory_space<vmem>>, %arg6: memref<512x128xf32, #tpu.memory_space<vmem>>) attributes {dimension_semantics = [#tpu.dimension_semantics<core_parallel>, #tpu.dimension_semantics<subcore_parallel>], iteration_bounds = array<i64: 2, 16>, scalar_prefetch = 0 : i64, scratch_operands = 2 : i64, tpu.core_type = #tpu.core_type<sc_vector_subcore>, window_params = [{transform_indices = #map}, {transform_indices = #map1}, {transform_indices = #map}]} {
    %mul3A = arith.constant 2 : i32
    %mul3A_0 = arith.muli %arg1, %mul3A : i32
    %add3A = arith.addi %mul3A_0, %arg0 : i32
    %mul3A_1 = arith.constant 512 : i32
    %mul3A_2 = arith.muli %add3A, %mul3A_1 : i32
    "tpu.region"() ({
      %run_scoped3A = tpu.sem_alloc : memref<!tpu.dma_semaphore, #tpu.memory_space<semaphore_mem>>
      %dma_start3A = tpu.memref_slice %arg3[%mul3A_2] : memref<16384xi32, #tpu.memory_space<hbm>> -> memref<512xi32, #tpu.memory_space<hbm>>
      %dma_start3A_3 = tpu.memref_slice %arg3[%mul3A_2] : memref<16384xi32, #tpu.memory_space<hbm>> -> memref<512xi32, #tpu.memory_space<hbm>>
      tpu.enqueue_dma source(%dma_start3A_3 : memref<512xi32, #tpu.memory_space<hbm>>) target(%arg5 : memref<512xi32, #tpu.memory_space<vmem>>) target_semaphore(%run_scoped3A : memref<!tpu.dma_semaphore, #tpu.memory_space<semaphore_mem>>)
      %dma_wait3A = tpu.memref_slice %arg3[%mul3A_2] : memref<16384xi32, #tpu.memory_space<hbm>> -> memref<512xi32, #tpu.memory_space<hbm>>
      %dma_wait3A_4 = tpu.memref_slice %arg3[%mul3A_2] : memref<16384xi32, #tpu.memory_space<hbm>> -> memref<512xi32, #tpu.memory_space<hbm>>
      tpu.wait_dma2 semaphore(%run_scoped3A : memref<!tpu.dma_semaphore, #tpu.memory_space<semaphore_mem>>) src(%dma_wait3A_4 : memref<512xi32, #tpu.memory_space<hbm>>) dst(%arg5 : memref<512xi32, #tpu.memory_space<vmem>>)
      tpu.yield
    }) : () -> ()
    "tpu.region"() ({
      %run_scoped3A = tpu.sem_alloc : memref<!tpu.dma_semaphore, #tpu.memory_space<semaphore_mem>>
      %dma_start3A = arith.constant 0 : i32
      %dma_start3A_3 = tpu.memref_slice %arg2[%mul3A_2, %dma_start3A] : memref<16384x128xf32, #tpu.memory_space<hbm>> -> memref<512x128xf32, #tpu.memory_space<hbm>>
      %dma_start3A_4 = arith.constant 0 : i32
      %dma_start3A_5 = tpu.memref_slice %arg2[%mul3A_2, %dma_start3A_4] : memref<16384x128xf32, #tpu.memory_space<hbm>> -> memref<512x128xf32, #tpu.memory_space<hbm>>
      tpu.enqueue_dma source(%dma_start3A_5 : memref<512x128xf32, #tpu.memory_space<hbm>>) target(%arg6 : memref<512x128xf32, #tpu.memory_space<vmem>>) target_semaphore(%run_scoped3A : memref<!tpu.dma_semaphore, #tpu.memory_space<semaphore_mem>>)
      %dma_wait3A = arith.constant 0 : i32
      %dma_wait3A_6 = tpu.memref_slice %arg2[%mul3A_2, %dma_wait3A] : memref<16384x128xf32, #tpu.memory_space<hbm>> -> memref<512x128xf32, #tpu.memory_space<hbm>>
      %dma_wait3A_7 = arith.constant 0 : i32
      %dma_wait3A_8 = tpu.memref_slice %arg2[%mul3A_2, %dma_wait3A_7] : memref<16384x128xf32, #tpu.memory_space<hbm>> -> memref<512x128xf32, #tpu.memory_space<hbm>>
      tpu.wait_dma2 semaphore(%run_scoped3A : memref<!tpu.dma_semaphore, #tpu.memory_space<semaphore_mem>>) src(%dma_wait3A_8 : memref<512x128xf32, #tpu.memory_space<hbm>>) dst(%arg6 : memref<512x128xf32, #tpu.memory_space<vmem>>)
      tpu.yield
    }) : () -> ()
    "tpu.region"() ({
      %run_scoped3A = tpu.sem_alloc : memref<!tpu.dma_semaphore, #tpu.memory_space<semaphore_mem>>
      %dma_start3A = arith.constant 0 : i32
      %dma_start3A_3 = arith.constant 0 : i32
      %dma_start3A_4 = tpu.memref_slice %arg4[%dma_start3A, %dma_start3A_3] : memref<16384x128xf32, #tpu.memory_space<hbm>> -> memref<16384x128xf32, #tpu.memory_space<hbm>>
      tpu.enqueue_indirect_dma source(%arg6 : memref<512x128xf32, #tpu.memory_space<vmem>>) target(%dma_start3A_4 : memref<16384x128xf32, #tpu.memory_space<hbm>>) offsets(%arg5 : memref<512xi32, #tpu.memory_space<vmem>>) semaphore(%run_scoped3A : memref<!tpu.dma_semaphore, #tpu.memory_space<semaphore_mem>>)
      %dma_wait3A = arith.constant 0 : i32
      %dma_wait3A_5 = arith.constant 0 : i32
      %dma_wait3A_6 = tpu.memref_slice %arg4[%dma_wait3A, %dma_wait3A_5] : memref<16384x128xf32, #tpu.memory_space<hbm>> -> memref<16384x128xf32, #tpu.memory_space<hbm>>
      tpu.wait_indirect_dma semaphore(%run_scoped3A : memref<!tpu.dma_semaphore, #tpu.memory_space<semaphore_mem>>) src(%arg6 : memref<512x128xf32, #tpu.memory_space<vmem>>) dst(%dma_wait3A_6 : memref<16384x128xf32, #tpu.memory_space<hbm>>)
      tpu.yield
    }) : () -> ()
    return
  }
}

module attributes {stable_mosaic.version = 14 : i64} {
  func.func @_dest_kernel(%arg0: memref<128x128xi32, #tpu.memory_space<vmem>>, %arg1: memref<128x128xf32, #tpu.memory_space<vmem>>, %arg2: memref<128x128xi32, #tpu.memory_space<vmem>>, %arg3: memref<1x1xi32, #tpu.memory_space<vmem>>, %arg4: memref<128x128xf32, #tpu.memory_space<vmem>>) attributes {dimension_semantics = [], scalar_prefetch = 0 : i64, scratch_operands = 0 : i64, tpu.core_type = #tpu.core_type<tc>} {
    %iota3A = tpu.iota {dimensions = array<i32: 0>} : vector<128x128xi32>
    %iota3A_0 = tpu.iota {dimensions = array<i32: 1>} : vector<128x128xi32>
    %get3A = arith.constant 0 : index
    %get3A_1 = arith.constant 0 : index
    %get3A_2 = vector.load %arg0[%get3A, %get3A_1] : memref<128x128xi32, #tpu.memory_space<vmem>>, vector<128x128xi32>
    %eq3A = arith.constant 1 : i32
    %eq3A_3 = vector.broadcast %eq3A : i32 to vector<128x128xi32>
    %eq3A_4 = arith.cmpi eq, %get3A_2, %eq3A_3 : vector<128x128xi32>
    %jit3A = arith.constant 1.000000e+00 : f32
    %jit3A_5 = arith.constant 0.000000e+00 : f32
    %broadcast_in_dim3A = vector.broadcast %jit3A : f32 to vector<128x128xf32>
    %broadcast_in_dim3A_6 = vector.broadcast %jit3A_5 : f32 to vector<128x128xf32>
    %select_n3A = arith.select %eq3A_4, %broadcast_in_dim3A, %broadcast_in_dim3A_6 : vector<128x128xi1>, vector<128x128xf32>
    %lt3A = arith.cmpi slt, %iota3A, %iota3A_0 : vector<128x128xi32>
    %jit3A_7 = arith.constant 1.000000e+00 : f32
    %jit3A_8 = arith.constant 0.000000e+00 : f32
    %broadcast_in_dim3A_9 = vector.broadcast %jit3A_7 : f32 to vector<128x128xf32>
    %broadcast_in_dim3A_10 = vector.broadcast %jit3A_8 : f32 to vector<128x128xf32>
    %select_n3A_11 = arith.select %lt3A, %broadcast_in_dim3A_9, %broadcast_in_dim3A_10 : vector<128x128xi1>, vector<128x128xf32>
    %convert_element_type3A = arith.truncf %select_n3A_11 : vector<128x128xf32> to vector<128x128xbf16>
    %gt3A = arith.cmpi sgt, %iota3A, %iota3A_0 : vector<128x128xi32>
    %jit3A_12 = arith.constant 1.000000e+00 : f32
    %jit3A_13 = arith.constant 0.000000e+00 : f32
    %broadcast_in_dim3A_14 = vector.broadcast %jit3A_12 : f32 to vector<128x128xf32>
    %broadcast_in_dim3A_15 = vector.broadcast %jit3A_13 : f32 to vector<128x128xf32>
    %select_n3A_16 = arith.select %gt3A, %broadcast_in_dim3A_14, %broadcast_in_dim3A_15 : vector<128x128xi1>, vector<128x128xf32>
    %convert_element_type3A_17 = arith.truncf %select_n3A_16 : vector<128x128xf32> to vector<128x128xbf16>
    %convert_element_type3A_18 = arith.truncf %select_n3A : vector<128x128xf32> to vector<128x128xbf16>
    %dot_general3A = arith.constant dense<0.000000e+00> : vector<128x128xf32>
    %dot_general3A_19 = tpu.matmul %convert_element_type3A_18, %convert_element_type3A, %dot_general3A {dimension_numbers = #tpu.dot_dimension_numbers<[1], [0], [0], [1], [0, 0, 1, 1], [], []>, transpose_lhs_hint = false} : vector<128x128xbf16>, vector<128x128xbf16>, vector<128x128xf32> -> vector<128x128xf32>
    %reduce_sum3A = arith.constant dense<0.000000e+00> : vector<128xf32>
    %reduce_sum3A_20 = vector.multi_reduction <add>, %select_n3A, %reduce_sum3A [1] : vector<128x128xf32> to vector<128xf32>
    %broadcast_in_dim3A_21 = vector.shape_cast %reduce_sum3A_20 : vector<128xf32> to vector<128x1xf32>
    %convert_element_type3A_22 = arith.truncf %broadcast_in_dim3A_21 : vector<128x1xf32> to vector<128x1xbf16>
    %dot_general3A_23 = arith.constant dense<0.000000e+00> : vector<128x1xf32>
    %dot_general3A_24 = tpu.matmul %convert_element_type3A_17, %convert_element_type3A_22, %dot_general3A_23 {dimension_numbers = #tpu.dot_dimension_numbers<[1], [0], [0], [1], [0, 0, 1, 1], [], []>, transpose_lhs_hint = false} : vector<128x128xbf16>, vector<128x1xbf16>, vector<128x1xf32> -> vector<128x1xf32>
    %add3A = vector.broadcast %dot_general3A_24 : vector<128x1xf32> to vector<128x128xf32>
    %add3A_25 = arith.addf %add3A, %dot_general3A_19 : vector<128x128xf32>
    %reduce_sum3A_26 = vector.shape_cast %select_n3A : vector<128x128xf32> to vector<1x128x128xf32>
    %reduce_sum3A_27 = arith.constant dense<0.000000e+00> : vector<1xf32>
    %reduce_sum3A_28 = vector.multi_reduction <add>, %reduce_sum3A_26, %reduce_sum3A_27 [1, 2] : vector<1x128x128xf32> to vector<1xf32>
    %reduce_sum3A_29 = vector.shape_cast %reduce_sum3A_28 : vector<1xf32> to vector<1x1x1xf32>
    %reduce_sum3A_30 = vector.extract %reduce_sum3A_29[0, 0, 0] : f32 from vector<1x1x1xf32>
    %mul3A = arith.constant 128 : i32
    %mul3A_31 = vector.broadcast %mul3A : i32 to vector<128x128xi32>
    %mul3A_32 = arith.muli %iota3A, %mul3A_31 : vector<128x128xi32>
    %add3A_33 = arith.addi %mul3A_32, %iota3A_0 : vector<128x128xi32>
    %convert_element_type3A_34 = arith.sitofp %add3A_33 : vector<128x128xi32> to vector<128x128xf32>
    %gt3A_35 = arith.constant 0.000000e+00 : f32
    %gt3A_36 = vector.broadcast %gt3A_35 : f32 to vector<128x128xf32>
    %gt3A_37 = arith.cmpf ogt, %select_n3A, %gt3A_36 : vector<128x128xf32>
    %add3A_38 = vector.broadcast %reduce_sum3A_30 : f32 to vector<128x128xf32>
    %add3A_39 = arith.addf %add3A_38, %convert_element_type3A_34 : vector<128x128xf32>
    %sub3A = arith.subf %add3A_39, %add3A_25 : vector<128x128xf32>
    %select_n3A_40 = arith.select %gt3A_37, %add3A_25, %sub3A : vector<128x128xi1>, vector<128x128xf32>
    %convert_element_type3A_41 = arith.fptosi %select_n3A_40 : vector<128x128xf32> to vector<128x128xi32>
    %swap3A = arith.constant 0 : index
    %swap3A_42 = arith.constant 0 : index
    %swap3A_43 = vector.load %arg2[%swap3A, %swap3A_42] : memref<128x128xi32, #tpu.memory_space<vmem>>, vector<128x128xi32>
    tpu.vector_store %arg2[%swap3A, %swap3A_42], %convert_element_type3A_41 {strides = array<i32>} : memref<128x128xi32, #tpu.memory_space<vmem>>, vector<128x128xi32>,
    %broadcast_in_dim3A_44 = vector.broadcast %reduce_sum3A_30 : f32 to vector<1x1xf32>
    %convert_element_type3A_45 = arith.fptosi %broadcast_in_dim3A_44 : vector<1x1xf32> to vector<1x1xi32>
    %swap3A_46 = arith.constant 0 : index
    %swap3A_47 = arith.constant 0 : index
    %swap3A_48 = vector.load %arg3[%swap3A_46, %swap3A_47] : memref<1x1xi32, #tpu.memory_space<vmem>>, vector<1x1xi32>
    tpu.vector_store %arg3[%swap3A_46, %swap3A_47], %convert_element_type3A_45 {strides = array<i32>} : memref<1x1xi32, #tpu.memory_space<vmem>>, vector<1x1xi32>,
    %get3A_49 = arith.constant 0 : index
    %get3A_50 = arith.constant 0 : index
    %get3A_51 = vector.load %arg1[%get3A_49, %get3A_50] : memref<128x128xf32, #tpu.memory_space<vmem>>, vector<128x128xf32>
    %max3A = arith.constant 9.99999997E-7 : f32
    %max3A_52 = vector.broadcast %max3A : f32 to vector<128x128xf32>
    %max3A_53 = arith.maximumf %get3A_51, %max3A_52 : vector<128x128xf32>
    %log3A = math.log %max3A_53 : vector<128x128xf32>
    %swap3A_54 = arith.constant 0 : index
    %swap3A_55 = arith.constant 0 : index
    %swap3A_56 = vector.load %arg4[%swap3A_54, %swap3A_55] : memref<128x128xf32, #tpu.memory_space<vmem>>, vector<128x128xf32>
    tpu.vector_store %arg4[%swap3A_54, %swap3A_55], %log3A {strides = array<i32>} : memref<128x128xf32, #tpu.memory_space<vmem>>, vector<128x128xf32>,
    return
  }
}

module attributes {stable_mosaic.version = 14 : i64} {
  func.func @_mask_kernel(%arg0: i32, %arg1: memref<1xi32, #tpu.memory_space<smem>>, %arg2: memref<512x1xi32, #tpu.memory_space<vmem>>, %arg3: memref<512x1xi32, #tpu.memory_space<vmem>>, %arg4: memref<1x16384xi32, #tpu.memory_space<vmem>>, %arg5: memref<1x16384xi32, #tpu.memory_space<vmem>>, %arg6: memref<1x16384xf32, #tpu.memory_space<vmem>>, %arg7: memref<512x1xf32, #tpu.memory_space<vmem>>, %arg8: memref<1x16384xf32, #tpu.memory_space<vmem>>) attributes {dimension_semantics = [#tpu.dimension_semantics<arbitrary>], iteration_bounds = array<i64: 32>, scalar_prefetch = 1 : i64, scratch_operands = 1 : i64, tpu.core_type = #tpu.core_type<tc>, window_params = [{transform_indices = @transform_0, window_bounds = array<i64: 512, 1>}, {transform_indices = @transform_1, window_bounds = array<i64: 512, 1>}, {pipeline_mode = #tpu.pipeline_mode<synchronous>, transform_indices = @transform_2, window_bounds = array<i64: 1, 16384>}, {pipeline_mode = #tpu.pipeline_mode<synchronous>, transform_indices = @transform_3, window_bounds = array<i64: 1, 16384>}, {pipeline_mode = #tpu.pipeline_mode<synchronous>, transform_indices = @transform_4, window_bounds = array<i64: 1, 16384>}, {transform_indices = @transform_5, window_bounds = array<i64: 512, 1>}]} {
    %get3A = arith.constant 0 : index
    %get3A_0 = memref.load %arg1[%get3A] : memref<1xi32, #tpu.memory_space<smem>>
    %eq3A = arith.constant 0 : i32
    %eq3A_1 = arith.cmpi eq, %arg0, %eq3A : i32
    %convert_element_type3A = arith.extui %eq3A_1 : i1 to i32
    %cond3A = arith.constant 0 : i32
    %cond3A_2 = arith.cmpi ne, %convert_element_type3A, %cond3A : i32
    scf.if %cond3A_2 {
      %broadcast_in_dim3A = arith.constant 0.000000e+00 : f32
      %broadcast_in_dim3A_12 = vector.broadcast %broadcast_in_dim3A : f32 to vector<1x16384xf32>
      %swap3A = arith.constant 0 : index
      %swap3A_13 = arith.constant 0 : index
      %swap3A_14 = vector.load %arg8[%swap3A, %swap3A_13] : memref<1x16384xf32, #tpu.memory_space<vmem>>, vector<1x16384xf32>
      tpu.vector_store %arg8[%swap3A, %swap3A_13], %broadcast_in_dim3A_12 {strides = array<i32>} : memref<1x16384xf32, #tpu.memory_space<vmem>>, vector<1x16384xf32>,
    } else {
    }
    %mul3A = arith.constant 512 : i32
    %mul3A_3 = arith.muli %arg0, %mul3A : i32
    %lt3A = arith.cmpi slt, %mul3A_3, %get3A_0 : i32
    %convert_element_type3A_4 = arith.extui %lt3A : i1 to i32
    %cond3A_5 = arith.constant 0 : i32
    %cond3A_6 = arith.cmpi ne, %convert_element_type3A_4, %cond3A_5 : i32
    scf.if %cond3A_6 {
      %mul3A_12 = arith.constant 512 : i32
      %mul3A_13 = arith.muli %arg0, %mul3A_12 : i32
      %iota3A = tpu.iota {dimensions = array<i32: 0>} : vector<512x1xi32>
      %add3A = vector.broadcast %mul3A_13 : i32 to vector<512x1xi32>
      %add3A_14 = arith.addi %add3A, %iota3A : vector<512x1xi32>
      %lt3A_15 = vector.broadcast %get3A_0 : i32 to vector<512x1xi32>
      %lt3A_16 = arith.cmpi slt, %add3A_14, %lt3A_15 : vector<512x1xi32>
      %get3A_17 = arith.constant 0 : index
      %get3A_18 = arith.constant 0 : index
      %get3A_19 = vector.load %arg2[%get3A_17, %get3A_18] : memref<512x1xi32, #tpu.memory_space<vmem>>, vector<512x1xi32>
      %get3A_20 = arith.constant 0 : index
      %get3A_21 = arith.constant 0 : index
      %get3A_22 = vector.load %arg3[%get3A_20, %get3A_21] : memref<512x1xi32, #tpu.memory_space<vmem>>, vector<512x1xi32>
      %jit3A = arith.constant 2048 : i32
      %div3A = arith.divsi %get3A_0, %jit3A : i32
      %sign3A = arith.constant 0 : i32
      %sign3A_23 = arith.cmpi sgt, %get3A_0, %sign3A : i32
      %sign3A_24 = arith.extui %sign3A_23 : i1 to i32
      %sign3A_25 = arith.constant 0 : i32
      %sign3A_26 = arith.cmpi slt, %get3A_0, %sign3A_25 : i32
      %sign3A_27 = arith.extui %sign3A_26 : i1 to i32
      %sign3A_28 = arith.subi %sign3A_24, %sign3A_27 : i32
      %sign3A_29 = arith.constant 0 : i32
      %sign3A_30 = arith.cmpi sgt, %jit3A, %sign3A_29 : i32
      %sign3A_31 = arith.extui %sign3A_30 : i1 to i32
      %sign3A_32 = arith.constant 0 : i32
      %sign3A_33 = arith.cmpi slt, %jit3A, %sign3A_32 : i32
      %sign3A_34 = arith.extui %sign3A_33 : i1 to i32
      %sign3A_35 = arith.subi %sign3A_31, %sign3A_34 : i32
      %ne3A = arith.cmpi ne, %sign3A_28, %sign3A_35 : i32
      %rem3A = arith.remsi %get3A_0, %jit3A : i32
      %ne3A_36 = arith.constant 0 : i32
      %ne3A_37 = arith.cmpi ne, %rem3A, %ne3A_36 : i32
      %and3A = arith.andi %ne3A, %ne3A_37 : i1
      %sub3A = arith.constant 1 : i32
      %sub3A_38 = arith.subi %div3A, %sub3A : i32
      %select_n3A = arith.select %and3A, %sub3A_38, %div3A : i32
      %broadcast_in_dim3A = arith.constant 0.000000e+00 : f32
      %broadcast_in_dim3A_39 = vector.broadcast %broadcast_in_dim3A : f32 to vector<512x1xf32>
      %while3A = arith.constant 8 : i32
      %while3A_40 = arith.subi %while3A, %select_n3A : i32
      %while3A_41 = arith.addi %select_n3A, %while3A_40 : i32
      %while3A_42 = arith.constant 1 : i32
      %while3A_43 = arith.divsi %while3A_40, %while3A_42 : i32
      %while3A_44 = arith.muli %while3A_43, %while3A_42 : i32
      %while3A_45 = arith.addi %select_n3A, %while3A_44 : i32
      %while3A_46 = arith.constant 1 : i32
      %while3A_47 = scf.for %while3A_60 = %select_n3A to %while3A_45 step %while3A_46 iter_args(%while3A_61 = %broadcast_in_dim3A_39) -> (vector<512x1xf32>)  : i32 {
        %mul3A_62 = arith.constant 2048 : i32
        %mul3A_63 = arith.muli %while3A_60, %mul3A_62 : i32
        %mul3A_64 = arith.constant 2048 : i32
        %mul3A_65 = arith.muli %while3A_60, %mul3A_64 : i32
        %iota3A_66 = tpu.iota {dimensions = array<i32: 1>} : vector<1x2048xi32>
        %add3A_67 = vector.broadcast %mul3A_65 : i32 to vector<1x2048xi32>
        %add3A_68 = arith.addi %add3A_67, %iota3A_66 : vector<1x2048xi32>
        %ge3A = vector.broadcast %get3A_0 : i32 to vector<1x2048xi32>
        %ge3A_69 = arith.cmpi sge, %add3A_68, %ge3A : vector<1x2048xi32>
        %get3A_70 = arith.constant 0 : index
        %get3A_71 = arith.index_cast %mul3A_63 : i32 to index
        %get3A_72 = vector.load %arg4[%get3A_70, %get3A_71] : memref<1x16384xi32, #tpu.memory_space<vmem>>, vector<1x2048xi32>
        %get3A_73 = vector.shape_cast %get3A_72 : vector<1x2048xi32> to vector<2048xi32>
        %broadcast_in_dim3A_74 = vector.shape_cast %get3A_73 : vector<2048xi32> to vector<1x2048xi32>
        %eq3A_75 = vector.broadcast %get3A_19 : vector<512x1xi32> to vector<512x2048xi32>
        %eq3A_76 = vector.broadcast %broadcast_in_dim3A_74 : vector<1x2048xi32> to vector<512x2048xi32>
        %eq3A_77 = arith.cmpi eq, %eq3A_75, %eq3A_76 : vector<512x2048xi32>
        %and3A_78 = vector.broadcast %lt3A_16 : vector<512x1xi1> to vector<512x2048xi1>
        %and3A_79 = arith.andi %eq3A_77, %and3A_78 : vector<512x2048xi1>
        %jit3A_80 = arith.constant 1.000000e+00 : f32
        %jit3A_81 = arith.constant 0.000000e+00 : f32
        %broadcast_in_dim3A_82 = vector.broadcast %jit3A_80 : f32 to vector<512x2048xf32>
        %broadcast_in_dim3A_83 = vector.broadcast %jit3A_81 : f32 to vector<512x2048xf32>
        %select_n3A_84 = arith.select %and3A_79, %broadcast_in_dim3A_82, %broadcast_in_dim3A_83 : vector<512x2048xi1>, vector<512x2048xf32>
        %get3A_85 = arith.constant 0 : index
        %get3A_86 = arith.index_cast %mul3A_63 : i32 to index
        %get3A_87 = vector.load %arg8[%get3A_85, %get3A_86] : memref<1x16384xf32, #tpu.memory_space<vmem>>, vector<1x2048xf32>
        %reduce_sum3A = arith.constant dense<0.000000e+00> : vector<2048xf32>
        %reduce_sum3A_88 = vector.multi_reduction <add>, %select_n3A_84, %reduce_sum3A [0] : vector<512x2048xf32> to vector<2048xf32>
        %broadcast_in_dim3A_89 = vector.shape_cast %reduce_sum3A_88 : vector<2048xf32> to vector<1x2048xf32>
        %add3A_90 = arith.addf %get3A_87, %broadcast_in_dim3A_89 : vector<1x2048xf32>
        %swap3A_91 = arith.constant 0 : index
        %swap3A_92 = arith.index_cast %mul3A_63 : i32 to index
        %swap3A_93 = vector.load %arg8[%swap3A_91, %swap3A_92] : memref<1x16384xf32, #tpu.memory_space<vmem>>, vector<1x2048xf32>
        tpu.vector_store %arg8[%swap3A_91, %swap3A_92], %add3A_90 {strides = array<i32>} : memref<1x16384xf32, #tpu.memory_space<vmem>>, vector<1x2048xf32>,
        %get3A_94 = arith.constant 0 : index
        %get3A_95 = arith.index_cast %mul3A_63 : i32 to index
        %get3A_96 = vector.load %arg5[%get3A_94, %get3A_95] : memref<1x16384xi32, #tpu.memory_space<vmem>>, vector<1x2048xi32>
        %get3A_97 = vector.shape_cast %get3A_96 : vector<1x2048xi32> to vector<2048xi32>
        %broadcast_in_dim3A_98 = vector.shape_cast %get3A_97 : vector<2048xi32> to vector<1x2048xi32>
        %eq3A_99 = vector.broadcast %get3A_22 : vector<512x1xi32> to vector<512x2048xi32>
        %eq3A_100 = vector.broadcast %broadcast_in_dim3A_98 : vector<1x2048xi32> to vector<512x2048xi32>
        %eq3A_101 = arith.cmpi eq, %eq3A_99, %eq3A_100 : vector<512x2048xi32>
        %and3A_102 = vector.broadcast %ge3A_69 : vector<1x2048xi1> to vector<512x2048xi1>
        %and3A_103 = arith.andi %eq3A_101, %and3A_102 : vector<512x2048xi1>
        %jit3A_104 = arith.constant 1.000000e+00 : f32
        %jit3A_105 = arith.constant 0.000000e+00 : f32
        %broadcast_in_dim3A_106 = vector.broadcast %jit3A_104 : f32 to vector<512x2048xf32>
        %broadcast_in_dim3A_107 = vector.broadcast %jit3A_105 : f32 to vector<512x2048xf32>
        %select_n3A_108 = arith.select %and3A_103, %broadcast_in_dim3A_106, %broadcast_in_dim3A_107 : vector<512x2048xi1>, vector<512x2048xf32>
        %reduce_sum3A_109 = arith.constant dense<0.000000e+00> : vector<512xf32>
        %reduce_sum3A_110 = vector.multi_reduction <add>, %select_n3A_108, %reduce_sum3A_109 [1] : vector<512x2048xf32> to vector<512xf32>
        %broadcast_in_dim3A_111 = vector.shape_cast %reduce_sum3A_110 : vector<512xf32> to vector<512x1xf32>
        %add3A_112 = arith.addf %while3A_61, %broadcast_in_dim3A_111 : vector<512x1xf32>
        scf.yield %add3A_112 : vector<512x1xf32>
      }
      %while3A_48 = arith.constant 1 : i32
      %while3A_49 = scf.for %while3A_60 = %while3A_45 to %while3A_41 step %while3A_48 iter_args(%while3A_61 = %while3A_47) -> (vector<512x1xf32>)  : i32 {
        %mul3A_62 = arith.constant 2048 : i32
        %mul3A_63 = arith.muli %while3A_60, %mul3A_62 : i32
        %mul3A_64 = arith.constant 2048 : i32
        %mul3A_65 = arith.muli %while3A_60, %mul3A_64 : i32
        %iota3A_66 = tpu.iota {dimensions = array<i32: 1>} : vector<1x2048xi32>
        %add3A_67 = vector.broadcast %mul3A_65 : i32 to vector<1x2048xi32>
        %add3A_68 = arith.addi %add3A_67, %iota3A_66 : vector<1x2048xi32>
        %ge3A = vector.broadcast %get3A_0 : i32 to vector<1x2048xi32>
        %ge3A_69 = arith.cmpi sge, %add3A_68, %ge3A : vector<1x2048xi32>
        %get3A_70 = arith.constant 0 : index
        %get3A_71 = arith.index_cast %mul3A_63 : i32 to index
        %get3A_72 = vector.load %arg4[%get3A_70, %get3A_71] : memref<1x16384xi32, #tpu.memory_space<vmem>>, vector<1x2048xi32>
        %get3A_73 = vector.shape_cast %get3A_72 : vector<1x2048xi32> to vector<2048xi32>
        %broadcast_in_dim3A_74 = vector.shape_cast %get3A_73 : vector<2048xi32> to vector<1x2048xi32>
        %eq3A_75 = vector.broadcast %get3A_19 : vector<512x1xi32> to vector<512x2048xi32>
        %eq3A_76 = vector.broadcast %broadcast_in_dim3A_74 : vector<1x2048xi32> to vector<512x2048xi32>
        %eq3A_77 = arith.cmpi eq, %eq3A_75, %eq3A_76 : vector<512x2048xi32>
        %and3A_78 = vector.broadcast %lt3A_16 : vector<512x1xi1> to vector<512x2048xi1>
        %and3A_79 = arith.andi %eq3A_77, %and3A_78 : vector<512x2048xi1>
        %jit3A_80 = arith.constant 1.000000e+00 : f32
        %jit3A_81 = arith.constant 0.000000e+00 : f32
        %broadcast_in_dim3A_82 = vector.broadcast %jit3A_80 : f32 to vector<512x2048xf32>
        %broadcast_in_dim3A_83 = vector.broadcast %jit3A_81 : f32 to vector<512x2048xf32>
        %select_n3A_84 = arith.select %and3A_79, %broadcast_in_dim3A_82, %broadcast_in_dim3A_83 : vector<512x2048xi1>, vector<512x2048xf32>
        %get3A_85 = arith.constant 0 : index
        %get3A_86 = arith.index_cast %mul3A_63 : i32 to index
        %get3A_87 = vector.load %arg8[%get3A_85, %get3A_86] : memref<1x16384xf32, #tpu.memory_space<vmem>>, vector<1x2048xf32>
        %reduce_sum3A = arith.constant dense<0.000000e+00> : vector<2048xf32>
        %reduce_sum3A_88 = vector.multi_reduction <add>, %select_n3A_84, %reduce_sum3A [0] : vector<512x2048xf32> to vector<2048xf32>
        %broadcast_in_dim3A_89 = vector.shape_cast %reduce_sum3A_88 : vector<2048xf32> to vector<1x2048xf32>
        %add3A_90 = arith.addf %get3A_87, %broadcast_in_dim3A_89 : vector<1x2048xf32>
        %swap3A_91 = arith.constant 0 : index
        %swap3A_92 = arith.index_cast %mul3A_63 : i32 to index
        %swap3A_93 = vector.load %arg8[%swap3A_91, %swap3A_92] : memref<1x16384xf32, #tpu.memory_space<vmem>>, vector<1x2048xf32>
        tpu.vector_store %arg8[%swap3A_91, %swap3A_92], %add3A_90 {strides = array<i32>} : memref<1x16384xf32, #tpu.memory_space<vmem>>, vector<1x2048xf32>,
        %get3A_94 = arith.constant 0 : index
        %get3A_95 = arith.index_cast %mul3A_63 : i32 to index
        %get3A_96 = vector.load %arg5[%get3A_94, %get3A_95] : memref<1x16384xi32, #tpu.memory_space<vmem>>, vector<1x2048xi32>
        %get3A_97 = vector.shape_cast %get3A_96 : vector<1x2048xi32> to vector<2048xi32>
        %broadcast_in_dim3A_98 = vector.shape_cast %get3A_97 : vector<2048xi32> to vector<1x2048xi32>
        %eq3A_99 = vector.broadcast %get3A_22 : vector<512x1xi32> to vector<512x2048xi32>
        %eq3A_100 = vector.broadcast %broadcast_in_dim3A_98 : vector<1x2048xi32> to vector<512x2048xi32>
        %eq3A_101 = arith.cmpi eq, %eq3A_99, %eq3A_100 : vector<512x2048xi32>
        %and3A_102 = vector.broadcast %ge3A_69 : vector<1x2048xi1> to vector<512x2048xi1>
        %and3A_103 = arith.andi %eq3A_101, %and3A_102 : vector<512x2048xi1>
        %jit3A_104 = arith.constant 1.000000e+00 : f32
        %jit3A_105 = arith.constant 0.000000e+00 : f32
        %broadcast_in_dim3A_106 = vector.broadcast %jit3A_104 : f32 to vector<512x2048xf32>
        %broadcast_in_dim3A_107 = vector.broadcast %jit3A_105 : f32 to vector<512x2048xf32>
        %select_n3A_108 = arith.select %and3A_103, %broadcast_in_dim3A_106, %broadcast_in_dim3A_107 : vector<512x2048xi1>, vector<512x2048xf32>
        %reduce_sum3A_109 = arith.constant dense<0.000000e+00> : vector<512xf32>
        %reduce_sum3A_110 = vector.multi_reduction <add>, %select_n3A_108, %reduce_sum3A_109 [1] : vector<512x2048xf32> to vector<512xf32>
        %broadcast_in_dim3A_111 = vector.shape_cast %reduce_sum3A_110 : vector<512xf32> to vector<512x1xf32>
        %add3A_112 = arith.addf %while3A_61, %broadcast_in_dim3A_111 : vector<512x1xf32>
        scf.yield %add3A_112 : vector<512x1xf32>
      }
      %eq3A_50 = arith.constant 0.000000e+00 : f32
      %eq3A_51 = vector.broadcast %eq3A_50 : f32 to vector<512x1xf32>
      %eq3A_52 = arith.cmpf oeq, %while3A_49, %eq3A_51 : vector<512x1xf32>
      %jit3A_53 = arith.constant 1.000000e+00 : f32
      %jit3A_54 = arith.constant 0.000000e+00 : f32
      %broadcast_in_dim3A_55 = vector.broadcast %jit3A_53 : f32 to vector<512x1xf32>
      %broadcast_in_dim3A_56 = vector.broadcast %jit3A_54 : f32 to vector<512x1xf32>
      %select_n3A_57 = arith.select %eq3A_52, %broadcast_in_dim3A_55, %broadcast_in_dim3A_56 : vector<512x1xi1>, vector<512x1xf32>
      %swap3A = arith.constant 0 : index
      %swap3A_58 = arith.constant 0 : index
      %swap3A_59 = vector.load %arg7[%swap3A, %swap3A_58] : memref<512x1xf32, #tpu.memory_space<vmem>>, vector<512x1xf32>
      tpu.vector_store %arg7[%swap3A, %swap3A_58], %select_n3A_57 {strides = array<i32>} : memref<512x1xf32, #tpu.memory_space<vmem>>, vector<512x1xf32>,
    } else {
    }
    %eq3A_7 = arith.constant 31 : i32
    %eq3A_8 = arith.cmpi eq, %arg0, %eq3A_7 : i32
    %convert_element_type3A_9 = arith.extui %eq3A_8 : i1 to i32
    %cond3A_10 = arith.constant 0 : i32
    %cond3A_11 = arith.cmpi ne, %convert_element_type3A_9, %cond3A_10 : i32
    scf.if %cond3A_11 {
      %iota3A = tpu.iota {dimensions = array<i32: 1>} : vector<1x16384xi32>
      %ge3A = vector.broadcast %get3A_0 : i32 to vector<1x16384xi32>
      %ge3A_12 = arith.cmpi sge, %iota3A, %ge3A : vector<1x16384xi32>
      %get3A_13 = arith.constant 0 : index
      %get3A_14 = arith.constant 0 : index
      %get3A_15 = vector.load %arg8[%get3A_13, %get3A_14] : memref<1x16384xf32, #tpu.memory_space<vmem>>, vector<1x16384xf32>
      %eq3A_16 = arith.constant 0.000000e+00 : f32
      %eq3A_17 = vector.broadcast %eq3A_16 : f32 to vector<1x16384xf32>
      %eq3A_18 = arith.cmpf oeq, %get3A_15, %eq3A_17 : vector<1x16384xf32>
      %and3A = arith.andi %ge3A_12, %eq3A_18 : vector<1x16384xi1>
      %jit3A = arith.constant 1.000000e+00 : f32
      %jit3A_19 = arith.constant 0.000000e+00 : f32
      %broadcast_in_dim3A = vector.broadcast %jit3A : f32 to vector<1x16384xf32>
      %broadcast_in_dim3A_20 = vector.broadcast %jit3A_19 : f32 to vector<1x16384xf32>
      %select_n3A = arith.select %and3A, %broadcast_in_dim3A, %broadcast_in_dim3A_20 : vector<1x16384xi1>, vector<1x16384xf32>
      %swap3A = arith.constant 0 : index
      %swap3A_21 = arith.constant 0 : index
      %swap3A_22 = vector.load %arg6[%swap3A, %swap3A_21] : memref<1x16384xf32, #tpu.memory_space<vmem>>, vector<1x16384xf32>
      tpu.vector_store %arg6[%swap3A, %swap3A_21], %select_n3A {strides = array<i32>} : memref<1x16384xf32, #tpu.memory_space<vmem>>, vector<1x16384xf32>,
    } else {
    }
    return
  }
  func.func @transform_0(%arg0: i32, %arg1: memref<1xi32, #tpu.memory_space<smem>>) -> (i32, i32) {
    %c0_i32 = arith.constant 0 : i32
    %c0_i32_0 = arith.constant 0 : i32
    return %arg0, %c0_i32 : i32, i32
  }
  func.func @transform_1(%arg0: i32, %arg1: memref<1xi32, #tpu.memory_space<smem>>) -> (i32, i32) {
    %c0_i32 = arith.constant 0 : i32
    %c0_i32_0 = arith.constant 0 : i32
    return %arg0, %c0_i32 : i32, i32
  }
  func.func @transform_2(%arg0: i32, %arg1: memref<1xi32, #tpu.memory_space<smem>>) -> (i32, i32) {
    %c0_i32 = arith.constant 0 : i32
    %c0_i32_0 = arith.constant 0 : i32
    %c0_i32_1 = arith.constant 0 : i32
    return %c0_i32, %c0_i32_0 : i32, i32
  }
  func.func @transform_3(%arg0: i32, %arg1: memref<1xi32, #tpu.memory_space<smem>>) -> (i32, i32) {
    %c0_i32 = arith.constant 0 : i32
    %c0_i32_0 = arith.constant 0 : i32
    %c0_i32_1 = arith.constant 0 : i32
    return %c0_i32, %c0_i32_0 : i32, i32
  }
  func.func @transform_4(%arg0: i32, %arg1: memref<1xi32, #tpu.memory_space<smem>>) -> (i32, i32) {
    %c0_i32 = arith.constant 0 : i32
    %c0_i32_0 = arith.constant 0 : i32
    %c0_i32_1 = arith.constant 0 : i32
    return %c0_i32, %c0_i32_0 : i32, i32
  }
  func.func @transform_5(%arg0: i32, %arg1: memref<1xi32, #tpu.memory_space<smem>>) -> (i32, i32) {
    %c0_i32 = arith.constant 0 : i32
    %c0_i32_0 = arith.constant 0 : i32
    return %arg0, %c0_i32 : i32, i32
  }
}

module attributes {stable_mosaic.version = 14 : i64} {
  func.func @_towers_kernel(%arg0: i32, %arg1: memref<1024x128xf32, #tpu.memory_space<vmem>>, %arg2: memref<1024x128xf32, #tpu.memory_space<vmem>>, %arg3: memref<1024x128xf32, #tpu.memory_space<vmem>>, %arg4: memref<1024x128xf32, #tpu.memory_space<vmem>>, %arg5: memref<384x256xf32, #tpu.memory_space<vmem>>, %arg6: memref<1x256xf32, #tpu.memory_space<vmem>>, %arg7: memref<256x128xf32, #tpu.memory_space<vmem>>, %arg8: memref<1x128xf32, #tpu.memory_space<vmem>>, %arg9: memref<128x256xf32, #tpu.memory_space<vmem>>, %arg10: memref<1x256xf32, #tpu.memory_space<vmem>>, %arg11: memref<256x128xf32, #tpu.memory_space<vmem>>, %arg12: memref<1x128xf32, #tpu.memory_space<vmem>>, %arg13: memref<1024x128xbf16, #tpu.memory_space<vmem>>, %arg14: memref<1024x128xbf16, #tpu.memory_space<vmem>>) attributes {dimension_semantics = [#tpu.dimension_semantics<arbitrary>], iteration_bounds = array<i64: 16>, scalar_prefetch = 0 : i64, scratch_operands = 0 : i64, tpu.core_type = #tpu.core_type<tc>, window_params = [{transform_indices = @transform_0, window_bounds = array<i64: 1024, 128>}, {transform_indices = @transform_1, window_bounds = array<i64: 1024, 128>}, {transform_indices = @transform_2, window_bounds = array<i64: 1024, 128>}, {transform_indices = @transform_3, window_bounds = array<i64: 1024, 128>}, {pipeline_mode = #tpu.pipeline_mode<synchronous>, transform_indices = @transform_4, window_bounds = array<i64: 384, 256>}, {pipeline_mode = #tpu.pipeline_mode<synchronous>, transform_indices = @transform_5, window_bounds = array<i64: 1, 256>}, {pipeline_mode = #tpu.pipeline_mode<synchronous>, transform_indices = @transform_6, window_bounds = array<i64: 256, 128>}, {pipeline_mode = #tpu.pipeline_mode<synchronous>, transform_indices = @transform_7, window_bounds = array<i64: 1, 128>}, {pipeline_mode = #tpu.pipeline_mode<synchronous>, transform_indices = @transform_8, window_bounds = array<i64: 128, 256>}, {pipeline_mode = #tpu.pipeline_mode<synchronous>, transform_indices = @transform_9, window_bounds = array<i64: 1, 256>}, {pipeline_mode = #tpu.pipeline_mode<synchronous>, transform_indices = @transform_10, window_bounds = array<i64: 256, 128>}, {pipeline_mode = #tpu.pipeline_mode<synchronous>, transform_indices = @transform_11, window_bounds = array<i64: 1, 128>}, {transform_indices = @transform_12, window_bounds = array<i64: 1024, 128>}, {transform_indices = @transform_13, window_bounds = array<i64: 1024, 128>}]} {
    %get3A = arith.constant 0 : index
    %get3A_0 = arith.constant 0 : index
    %get3A_1 = vector.load %arg5[%get3A, %get3A_0] : memref<384x256xf32, #tpu.memory_space<vmem>>, vector<128x256xf32>
    %convert_element_type3A = arith.truncf %get3A_1 : vector<128x256xf32> to vector<128x256xbf16>
    %get3A_2 = arith.constant 128 : index
    %get3A_3 = arith.constant 0 : index
    %get3A_4 = vector.load %arg5[%get3A_2, %get3A_3] : memref<384x256xf32, #tpu.memory_space<vmem>>, vector<128x256xf32>
    %convert_element_type3A_5 = arith.truncf %get3A_4 : vector<128x256xf32> to vector<128x256xbf16>
    %get3A_6 = arith.constant 256 : index
    %get3A_7 = arith.constant 0 : index
    %get3A_8 = vector.load %arg5[%get3A_6, %get3A_7] : memref<384x256xf32, #tpu.memory_space<vmem>>, vector<128x256xf32>
    %convert_element_type3A_9 = arith.truncf %get3A_8 : vector<128x256xf32> to vector<128x256xbf16>
    %get3A_10 = arith.constant 0 : index
    %get3A_11 = arith.constant 0 : index
    %get3A_12 = vector.load %arg1[%get3A_10, %get3A_11] : memref<1024x128xf32, #tpu.memory_space<vmem>>, vector<1024x128xf32>
    %convert_element_type3A_13 = arith.truncf %get3A_12 : vector<1024x128xf32> to vector<1024x128xbf16>
    %dot_general3A = arith.constant dense<0.000000e+00> : vector<1024x256xf32>
    %dot_general3A_14 = tpu.matmul %convert_element_type3A_13, %convert_element_type3A, %dot_general3A {dimension_numbers = #tpu.dot_dimension_numbers<[1], [0], [0], [1], [0, 0, 1, 1], [], []>, transpose_lhs_hint = false} : vector<1024x128xbf16>, vector<128x256xbf16>, vector<1024x256xf32> -> vector<1024x256xf32>
    %get3A_15 = arith.constant 0 : index
    %get3A_16 = arith.constant 0 : index
    %get3A_17 = vector.load %arg2[%get3A_15, %get3A_16] : memref<1024x128xf32, #tpu.memory_space<vmem>>, vector<1024x128xf32>
    %convert_element_type3A_18 = arith.truncf %get3A_17 : vector<1024x128xf32> to vector<1024x128xbf16>
    %dot_general3A_19 = arith.constant dense<0.000000e+00> : vector<1024x256xf32>
    %dot_general3A_20 = tpu.matmul %convert_element_type3A_18, %convert_element_type3A_5, %dot_general3A_19 {dimension_numbers = #tpu.dot_dimension_numbers<[1], [0], [0], [1], [0, 0, 1, 1], [], []>, transpose_lhs_hint = false} : vector<1024x128xbf16>, vector<128x256xbf16>, vector<1024x256xf32> -> vector<1024x256xf32>
    %add3A = arith.addf %dot_general3A_14, %dot_general3A_20 : vector<1024x256xf32>
    %get3A_21 = arith.constant 0 : index
    %get3A_22 = arith.constant 0 : index
    %get3A_23 = vector.load %arg3[%get3A_21, %get3A_22] : memref<1024x128xf32, #tpu.memory_space<vmem>>, vector<1024x128xf32>
    %convert_element_type3A_24 = arith.truncf %get3A_23 : vector<1024x128xf32> to vector<1024x128xbf16>
    %dot_general3A_25 = arith.constant dense<0.000000e+00> : vector<1024x256xf32>
    %dot_general3A_26 = tpu.matmul %convert_element_type3A_24, %convert_element_type3A_9, %dot_general3A_25 {dimension_numbers = #tpu.dot_dimension_numbers<[1], [0], [0], [1], [0, 0, 1, 1], [], []>, transpose_lhs_hint = false} : vector<1024x128xbf16>, vector<128x256xbf16>, vector<1024x256xf32> -> vector<1024x256xf32>
    %add3A_27 = arith.addf %add3A, %dot_general3A_26 : vector<1024x256xf32>
    %get3A_28 = arith.constant 0 : index
    %get3A_29 = arith.constant 0 : index
    %get3A_30 = vector.load %arg6[%get3A_28, %get3A_29] : memref<1x256xf32, #tpu.memory_space<vmem>>, vector<1x256xf32>
    %add3A_31 = vector.broadcast %get3A_30 : vector<1x256xf32> to vector<1024x256xf32>
    %add3A_32 = arith.addf %add3A_27, %add3A_31 : vector<1024x256xf32>
    %max3A = arith.constant 0.000000e+00 : f32
    %max3A_33 = vector.broadcast %max3A : f32 to vector<1024x256xf32>
    %max3A_34 = arith.maximumf %add3A_32, %max3A_33 : vector<1024x256xf32>
    %convert_element_type3A_35 = arith.truncf %max3A_34 : vector<1024x256xf32> to vector<1024x256xbf16>
    %get3A_36 = arith.constant 0 : index
    %get3A_37 = arith.constant 0 : index
    %get3A_38 = vector.load %arg7[%get3A_36, %get3A_37] : memref<256x128xf32, #tpu.memory_space<vmem>>, vector<256x128xf32>
    %convert_element_type3A_39 = arith.truncf %get3A_38 : vector<256x128xf32> to vector<256x128xbf16>
    %dot_general3A_40 = arith.constant dense<0.000000e+00> : vector<1024x128xf32>
    %dot_general3A_41 = tpu.matmul %convert_element_type3A_35, %convert_element_type3A_39, %dot_general3A_40 {dimension_numbers = #tpu.dot_dimension_numbers<[1], [0], [0], [1], [0, 0, 1, 1], [], []>, transpose_lhs_hint = false} : vector<1024x256xbf16>, vector<256x128xbf16>, vector<1024x128xf32> -> vector<1024x128xf32>
    %get3A_42 = arith.constant 0 : index
    %get3A_43 = arith.constant 0 : index
    %get3A_44 = vector.load %arg8[%get3A_42, %get3A_43] : memref<1x128xf32, #tpu.memory_space<vmem>>, vector<1x128xf32>
    %add3A_45 = vector.broadcast %get3A_44 : vector<1x128xf32> to vector<1024x128xf32>
    %add3A_46 = arith.addf %dot_general3A_41, %add3A_45 : vector<1024x128xf32>
    %convert_element_type3A_47 = arith.truncf %add3A_46 : vector<1024x128xf32> to vector<1024x128xbf16>
    %swap3A = arith.constant 0 : index
    %swap3A_48 = arith.constant 0 : index
    %swap3A_49 = vector.load %arg13[%swap3A, %swap3A_48] : memref<1024x128xbf16, #tpu.memory_space<vmem>>, vector<1024x128xbf16>
    tpu.vector_store %arg13[%swap3A, %swap3A_48], %convert_element_type3A_47 {strides = array<i32>} : memref<1024x128xbf16, #tpu.memory_space<vmem>>, vector<1024x128xbf16>,
    %get3A_50 = arith.constant 0 : index
    %get3A_51 = arith.constant 0 : index
    %get3A_52 = vector.load %arg4[%get3A_50, %get3A_51] : memref<1024x128xf32, #tpu.memory_space<vmem>>, vector<1024x128xf32>
    %convert_element_type3A_53 = arith.truncf %get3A_52 : vector<1024x128xf32> to vector<1024x128xbf16>
    %get3A_54 = arith.constant 0 : index
    %get3A_55 = arith.constant 0 : index
    %get3A_56 = vector.load %arg9[%get3A_54, %get3A_55] : memref<128x256xf32, #tpu.memory_space<vmem>>, vector<128x256xf32>
    %convert_element_type3A_57 = arith.truncf %get3A_56 : vector<128x256xf32> to vector<128x256xbf16>
    %dot_general3A_58 = arith.constant dense<0.000000e+00> : vector<1024x256xf32>
    %dot_general3A_59 = tpu.matmul %convert_element_type3A_53, %convert_element_type3A_57, %dot_general3A_58 {dimension_numbers = #tpu.dot_dimension_numbers<[1], [0], [0], [1], [0, 0, 1, 1], [], []>, transpose_lhs_hint = false} : vector<1024x128xbf16>, vector<128x256xbf16>, vector<1024x256xf32> -> vector<1024x256xf32>
    %get3A_60 = arith.constant 0 : index
    %get3A_61 = arith.constant 0 : index
    %get3A_62 = vector.load %arg10[%get3A_60, %get3A_61] : memref<1x256xf32, #tpu.memory_space<vmem>>, vector<1x256xf32>
    %add3A_63 = vector.broadcast %get3A_62 : vector<1x256xf32> to vector<1024x256xf32>
    %add3A_64 = arith.addf %dot_general3A_59, %add3A_63 : vector<1024x256xf32>
    %max3A_65 = arith.constant 0.000000e+00 : f32
    %max3A_66 = vector.broadcast %max3A_65 : f32 to vector<1024x256xf32>
    %max3A_67 = arith.maximumf %add3A_64, %max3A_66 : vector<1024x256xf32>
    %convert_element_type3A_68 = arith.truncf %max3A_67 : vector<1024x256xf32> to vector<1024x256xbf16>
    %get3A_69 = arith.constant 0 : index
    %get3A_70 = arith.constant 0 : index
    %get3A_71 = vector.load %arg11[%get3A_69, %get3A_70] : memref<256x128xf32, #tpu.memory_space<vmem>>, vector<256x128xf32>
    %convert_element_type3A_72 = arith.truncf %get3A_71 : vector<256x128xf32> to vector<256x128xbf16>
    %dot_general3A_73 = arith.constant dense<0.000000e+00> : vector<1024x128xf32>
    %dot_general3A_74 = tpu.matmul %convert_element_type3A_68, %convert_element_type3A_72, %dot_general3A_73 {dimension_numbers = #tpu.dot_dimension_numbers<[1], [0], [0], [1], [0, 0, 1, 1], [], []>, transpose_lhs_hint = false} : vector<1024x256xbf16>, vector<256x128xbf16>, vector<1024x128xf32> -> vector<1024x128xf32>
    %get3A_75 = arith.constant 0 : index
    %get3A_76 = arith.constant 0 : index
    %get3A_77 = vector.load %arg12[%get3A_75, %get3A_76] : memref<1x128xf32, #tpu.memory_space<vmem>>, vector<1x128xf32>
    %add3A_78 = vector.broadcast %get3A_77 : vector<1x128xf32> to vector<1024x128xf32>
    %add3A_79 = arith.addf %dot_general3A_74, %add3A_78 : vector<1024x128xf32>
    %convert_element_type3A_80 = arith.truncf %add3A_79 : vector<1024x128xf32> to vector<1024x128xbf16>
    %swap3A_81 = arith.constant 0 : index
    %swap3A_82 = arith.constant 0 : index
    %swap3A_83 = vector.load %arg14[%swap3A_81, %swap3A_82] : memref<1024x128xbf16, #tpu.memory_space<vmem>>, vector<1024x128xbf16>
    tpu.vector_store %arg14[%swap3A_81, %swap3A_82], %convert_element_type3A_80 {strides = array<i32>} : memref<1024x128xbf16, #tpu.memory_space<vmem>>, vector<1024x128xbf16>,
    return
  }
  func.func @transform_0(%arg0: i32) -> (i32, i32) {
    %c0_i32 = arith.constant 0 : i32
    %c0_i32_0 = arith.constant 0 : i32
    return %arg0, %c0_i32 : i32, i32
  }
  func.func @transform_1(%arg0: i32) -> (i32, i32) {
    %c0_i32 = arith.constant 0 : i32
    %c0_i32_0 = arith.constant 0 : i32
    return %arg0, %c0_i32 : i32, i32
  }
  func.func @transform_2(%arg0: i32) -> (i32, i32) {
    %c0_i32 = arith.constant 0 : i32
    %c0_i32_0 = arith.constant 0 : i32
    return %arg0, %c0_i32 : i32, i32
  }
  func.func @transform_3(%arg0: i32) -> (i32, i32) {
    %c0_i32 = arith.constant 0 : i32
    %c0_i32_0 = arith.constant 0 : i32
    return %arg0, %c0_i32 : i32, i32
  }
  func.func @transform_4(%arg0: i32) -> (i32, i32) {
    %c0_i32 = arith.constant 0 : i32
    %c0_i32_0 = arith.constant 0 : i32
    %c0_i32_1 = arith.constant 0 : i32
    return %c0_i32, %c0_i32_0 : i32, i32
  }
  func.func @transform_5(%arg0: i32) -> (i32, i32) {
    %c0_i32 = arith.constant 0 : i32
    %c0_i32_0 = arith.constant 0 : i32
    %c0_i32_1 = arith.constant 0 : i32
    return %c0_i32, %c0_i32_0 : i32, i32
  }
  func.func @transform_6(%arg0: i32) -> (i32, i32) {
    %c0_i32 = arith.constant 0 : i32
    %c0_i32_0 = arith.constant 0 : i32
    %c0_i32_1 = arith.constant 0 : i32
    return %c0_i32, %c0_i32_0 : i32, i32
  }
  func.func @transform_7(%arg0: i32) -> (i32, i32) {
    %c0_i32 = arith.constant 0 : i32
    %c0_i32_0 = arith.constant 0 : i32
    %c0_i32_1 = arith.constant 0 : i32
    return %c0_i32, %c0_i32_0 : i32, i32
  }
  func.func @transform_8(%arg0: i32) -> (i32, i32) {
    %c0_i32 = arith.constant 0 : i32
    %c0_i32_0 = arith.constant 0 : i32
    %c0_i32_1 = arith.constant 0 : i32
    return %c0_i32, %c0_i32_0 : i32, i32
  }
  func.func @transform_9(%arg0: i32) -> (i32, i32) {
    %c0_i32 = arith.constant 0 : i32
    %c0_i32_0 = arith.constant 0 : i32
    %c0_i32_1 = arith.constant 0 : i32
    return %c0_i32, %c0_i32_0 : i32, i32
  }
  func.func @transform_10(%arg0: i32) -> (i32, i32) {
    %c0_i32 = arith.constant 0 : i32
    %c0_i32_0 = arith.constant 0 : i32
    %c0_i32_1 = arith.constant 0 : i32
    return %c0_i32, %c0_i32_0 : i32, i32
  }
  func.func @transform_11(%arg0: i32) -> (i32, i32) {
    %c0_i32 = arith.constant 0 : i32
    %c0_i32_0 = arith.constant 0 : i32
    %c0_i32_1 = arith.constant 0 : i32
    return %c0_i32, %c0_i32_0 : i32, i32
  }
  func.func @transform_12(%arg0: i32) -> (i32, i32) {
    %c0_i32 = arith.constant 0 : i32
    %c0_i32_0 = arith.constant 0 : i32
    return %arg0, %c0_i32 : i32, i32
  }
  func.func @transform_13(%arg0: i32) -> (i32, i32) {
    %c0_i32 = arith.constant 0 : i32
    %c0_i32_0 = arith.constant 0 : i32
    return %arg0, %c0_i32 : i32, i32
  }
}

module attributes {stable_mosaic.version = 14 : i64} {
  func.func @_loss_kernel(%arg0: i32, %arg1: memref<1xi32, #tpu.memory_space<smem>>, %arg2: memref<512x128xbf16, #tpu.memory_space<vmem>>, %arg3: memref<16384x128xbf16, #tpu.memory_space<vmem>>, %arg4: memref<512x1xi32, #tpu.memory_space<vmem>>, %arg5: memref<512x1xf32, #tpu.memory_space<vmem>>, %arg6: memref<512x1xf32, #tpu.memory_space<vmem>>, %arg7: memref<1x16384xi32, #tpu.memory_space<vmem>>, %arg8: memref<1x16384xf32, #tpu.memory_space<vmem>>, %arg9: memref<1x16384xf32, #tpu.memory_space<vmem>>, %arg10: memref<1x1xf32, #tpu.memory_space<vmem>>, %arg11: memref<1x1xf32, #tpu.memory_space<smem>>) attributes {dimension_semantics = [#tpu.dimension_semantics<arbitrary>], iteration_bounds = array<i64: 32>, scalar_prefetch = 1 : i64, scratch_operands = 1 : i64, tpu.core_type = #tpu.core_type<tc>, window_params = [{transform_indices = @transform_0, window_bounds = array<i64: 512, 128>}, {pipeline_mode = #tpu.pipeline_mode<synchronous>, transform_indices = @transform_1, window_bounds = array<i64: 16384, 128>}, {transform_indices = @transform_2, window_bounds = array<i64: 512, 1>}, {transform_indices = @transform_3, window_bounds = array<i64: 512, 1>}, {transform_indices = @transform_4, window_bounds = array<i64: 512, 1>}, {pipeline_mode = #tpu.pipeline_mode<synchronous>, transform_indices = @transform_5, window_bounds = array<i64: 1, 16384>}, {pipeline_mode = #tpu.pipeline_mode<synchronous>, transform_indices = @transform_6, window_bounds = array<i64: 1, 16384>}, {pipeline_mode = #tpu.pipeline_mode<synchronous>, transform_indices = @transform_7, window_bounds = array<i64: 1, 16384>}, {pipeline_mode = #tpu.pipeline_mode<synchronous>, transform_indices = @transform_8, window_bounds = array<i64: 1, 1>}]} {
    %get3A = arith.constant 0 : index
    %get3A_0 = memref.load %arg1[%get3A] : memref<1xi32, #tpu.memory_space<smem>>
    %eq3A = arith.constant 0 : i32
    %eq3A_1 = arith.cmpi eq, %arg0, %eq3A : i32
    %convert_element_type3A = arith.extui %eq3A_1 : i1 to i32
    %cond3A = arith.constant 0 : i32
    %cond3A_2 = arith.cmpi ne, %convert_element_type3A, %cond3A : i32
    scf.if %cond3A_2 {
      %swap3A = arith.constant 0.000000e+00 : f32
      %swap3A_12 = arith.constant 0 : index
      %swap3A_13 = arith.constant 0 : index
      %swap3A_14 = memref.load %arg11[%swap3A_12, %swap3A_13] : memref<1x1xf32, #tpu.memory_space<smem>>
      memref.store %swap3A, %arg11[%swap3A_12, %swap3A_13] : memref<1x1xf32, #tpu.memory_space<smem>>
    } else {
    }
    %mul3A = arith.constant 512 : i32
    %mul3A_3 = arith.muli %arg0, %mul3A : i32
    %lt3A = arith.cmpi slt, %mul3A_3, %get3A_0 : i32
    %convert_element_type3A_4 = arith.extui %lt3A : i1 to i32
    %cond3A_5 = arith.constant 0 : i32
    %cond3A_6 = arith.cmpi ne, %convert_element_type3A_4, %cond3A_5 : i32
    scf.if %cond3A_6 {
      %get3A_12 = arith.constant 0 : index
      %get3A_13 = arith.constant 0 : index
      %get3A_14 = vector.load %arg2[%get3A_12, %get3A_13] : memref<512x128xbf16, #tpu.memory_space<vmem>>, vector<512x128xbf16>
      %mul3A_15 = arith.constant 512 : i32
      %mul3A_16 = arith.muli %arg0, %mul3A_15 : i32
      %get3A_17 = arith.index_cast %mul3A_16 : i32 to index
      %get3A_18 = arith.constant 0 : index
      %get3A_19 = vector.load %arg3[%get3A_17, %get3A_18] : memref<16384x128xbf16, #tpu.memory_space<vmem>>, vector<512x128xbf16>
      %convert_element_type3A_20 = arith.extf %get3A_14 : vector<512x128xbf16> to vector<512x128xf32>
      %convert_element_type3A_21 = arith.extf %get3A_19 : vector<512x128xbf16> to vector<512x128xf32>
      %mul3A_22 = arith.mulf %convert_element_type3A_20, %convert_element_type3A_21 : vector<512x128xf32>
      %reduce_sum3A = arith.constant dense<0.000000e+00> : vector<512xf32>
      %reduce_sum3A_23 = vector.multi_reduction <add>, %mul3A_22, %reduce_sum3A [1] : vector<512x128xf32> to vector<512xf32>
      %broadcast_in_dim3A = vector.shape_cast %reduce_sum3A_23 : vector<512xf32> to vector<512x1xf32>
      %get3A_24 = arith.constant 0 : index
      %get3A_25 = arith.constant 0 : index
      %get3A_26 = vector.load %arg5[%get3A_24, %get3A_25] : memref<512x1xf32, #tpu.memory_space<vmem>>, vector<512x1xf32>
      %sub3A = arith.subf %broadcast_in_dim3A, %get3A_26 : vector<512x1xf32>
      %get3A_27 = arith.constant 0 : index
      %get3A_28 = arith.constant 0 : index
      %get3A_29 = vector.load %arg4[%get3A_27, %get3A_28] : memref<512x1xi32, #tpu.memory_space<vmem>>, vector<512x1xi32>
      %get3A_30 = arith.constant 0 : index
      %get3A_31 = arith.constant 0 : index
      %get3A_32 = vector.load %arg6[%get3A_30, %get3A_31] : memref<512x1xf32, #tpu.memory_space<vmem>>, vector<512x1xf32>
      %gt3A = arith.constant 0.000000e+00 : f32
      %gt3A_33 = vector.broadcast %gt3A : f32 to vector<512x1xf32>
      %gt3A_34 = arith.cmpf ogt, %get3A_32, %gt3A_33 : vector<512x1xf32>
      %broadcast_in_dim3A_35 = arith.constant -3.000000e+38 : f32
      %broadcast_in_dim3A_36 = vector.broadcast %broadcast_in_dim3A_35 : f32 to vector<512x1xf32>
      %broadcast_in_dim3A_37 = arith.constant 0.000000e+00 : f32
      %broadcast_in_dim3A_38 = vector.broadcast %broadcast_in_dim3A_37 : f32 to vector<512x1xf32>
      %jit3A = arith.constant 2048 : i32
      %div3A = arith.divsi %get3A_0, %jit3A : i32
      %sign3A = arith.constant 0 : i32
      %sign3A_39 = arith.cmpi sgt, %get3A_0, %sign3A : i32
      %sign3A_40 = arith.extui %sign3A_39 : i1 to i32
      %sign3A_41 = arith.constant 0 : i32
      %sign3A_42 = arith.cmpi slt, %get3A_0, %sign3A_41 : i32
      %sign3A_43 = arith.extui %sign3A_42 : i1 to i32
      %sign3A_44 = arith.subi %sign3A_40, %sign3A_43 : i32
      %sign3A_45 = arith.constant 0 : i32
      %sign3A_46 = arith.cmpi sgt, %jit3A, %sign3A_45 : i32
      %sign3A_47 = arith.extui %sign3A_46 : i1 to i32
      %sign3A_48 = arith.constant 0 : i32
      %sign3A_49 = arith.cmpi slt, %jit3A, %sign3A_48 : i32
      %sign3A_50 = arith.extui %sign3A_49 : i1 to i32
      %sign3A_51 = arith.subi %sign3A_47, %sign3A_50 : i32
      %ne3A = arith.cmpi ne, %sign3A_44, %sign3A_51 : i32
      %rem3A = arith.remsi %get3A_0, %jit3A : i32
      %ne3A_52 = arith.constant 0 : i32
      %ne3A_53 = arith.cmpi ne, %rem3A, %ne3A_52 : i32
      %and3A = arith.andi %ne3A, %ne3A_53 : i1
      %sub3A_54 = arith.constant 1 : i32
      %sub3A_55 = arith.subi %div3A, %sub3A_54 : i32
      %select_n3A = arith.select %and3A, %sub3A_55, %div3A : i32
      %while3A = arith.constant 8 : i32
      %while3A_56 = arith.subi %while3A, %select_n3A : i32
      %while3A_57 = arith.addi %select_n3A, %while3A_56 : i32
      %while3A_58 = arith.constant 1 : i32
      %while3A_59 = arith.divsi %while3A_56, %while3A_58 : i32
      %while3A_60 = arith.muli %while3A_59, %while3A_58 : i32
      %while3A_61 = arith.addi %select_n3A, %while3A_60 : i32
      %while3A_62 = arith.constant 1 : i32
      %while3A_63:2 = scf.for %while3A_92 = %select_n3A to %while3A_61 step %while3A_62 iter_args(%while3A_93 = %broadcast_in_dim3A_36, %while3A_94 = %broadcast_in_dim3A_38) -> (vector<512x1xf32>, vector<512x1xf32>)  : i32 {
        %mul3A_95 = arith.constant 2048 : i32
        %mul3A_96 = arith.muli %while3A_92, %mul3A_95 : i32
        %get3A_97 = arith.index_cast %mul3A_96 : i32 to index
        %get3A_98 = arith.constant 0 : index
        %get3A_99 = vector.load %arg3[%get3A_97, %get3A_98] : memref<16384x128xbf16, #tpu.memory_space<vmem>>, vector<2048x128xbf16>
        %dot_general3A = arith.constant dense<0.000000e+00> : vector<512x2048xf32>
        %dot_general3A_100 = tpu.matmul %get3A_14, %get3A_99, %dot_general3A {dimension_numbers = #tpu.dot_dimension_numbers<[1], [1], [0], [0], [0, 0, 1, 0], [], []>, transpose_lhs_hint = false} : vector<512x128xbf16>, vector<2048x128xbf16>, vector<512x2048xf32> -> vector<512x2048xf32>
        %get3A_101 = arith.constant 0 : index
        %get3A_102 = arith.index_cast %mul3A_96 : i32 to index
        %get3A_103 = vector.load %arg9[%get3A_101, %get3A_102] : memref<1x16384xf32, #tpu.memory_space<vmem>>, vector<1x2048xf32>
        %get3A_104 = vector.shape_cast %get3A_103 : vector<1x2048xf32> to vector<2048xf32>
        %broadcast_in_dim3A_105 = vector.shape_cast %get3A_104 : vector<2048xf32> to vector<1x2048xf32>
        %sub3A_106 = vector.broadcast %broadcast_in_dim3A_105 : vector<1x2048xf32> to vector<512x2048xf32>
        %sub3A_107 = arith.subf %dot_general3A_100, %sub3A_106 : vector<512x2048xf32>
        %get3A_108 = arith.constant 0 : index
        %get3A_109 = arith.index_cast %mul3A_96 : i32 to index
        %get3A_110 = vector.load %arg8[%get3A_108, %get3A_109] : memref<1x16384xf32, #tpu.memory_space<vmem>>, vector<1x2048xf32>
        %get3A_111 = vector.shape_cast %get3A_110 : vector<1x2048xf32> to vector<2048xf32>
        %broadcast_in_dim3A_112 = vector.shape_cast %get3A_111 : vector<2048xf32> to vector<1x2048xf32>
        %gt3A_113 = arith.constant 0.000000e+00 : f32
        %gt3A_114 = vector.broadcast %gt3A_113 : f32 to vector<1x2048xf32>
        %gt3A_115 = arith.cmpf ogt, %broadcast_in_dim3A_112, %gt3A_114 : vector<1x2048xf32>
        %get3A_116 = arith.constant 0 : index
        %get3A_117 = arith.index_cast %mul3A_96 : i32 to index
        %get3A_118 = vector.load %arg7[%get3A_116, %get3A_117] : memref<1x16384xi32, #tpu.memory_space<vmem>>, vector<1x2048xi32>
        %get3A_119 = vector.shape_cast %get3A_118 : vector<1x2048xi32> to vector<2048xi32>
        %broadcast_in_dim3A_120 = vector.shape_cast %get3A_119 : vector<2048xi32> to vector<1x2048xi32>
        %eq3A_121 = vector.broadcast %get3A_29 : vector<512x1xi32> to vector<512x2048xi32>
        %eq3A_122 = vector.broadcast %broadcast_in_dim3A_120 : vector<1x2048xi32> to vector<512x2048xi32>
        %eq3A_123 = arith.cmpi eq, %eq3A_121, %eq3A_122 : vector<512x2048xi32>
        %or3A = vector.broadcast %gt3A_34 : vector<512x1xi1> to vector<512x2048xi1>
        %or3A_124 = arith.ori %eq3A_123, %or3A : vector<512x2048xi1>
        %and3A_125 = vector.broadcast %gt3A_115 : vector<1x2048xi1> to vector<512x2048xi1>
        %and3A_126 = arith.andi %and3A_125, %or3A_124 : vector<512x2048xi1>
        %jit3A_127 = arith.constant -3.000000e+38 : f32
        %broadcast_in_dim3A_128 = vector.broadcast %jit3A_127 : f32 to vector<512x2048xf32>
        %select_n3A_129 = arith.select %and3A_126, %sub3A_107, %broadcast_in_dim3A_128 : vector<512x2048xi1>, vector<512x2048xf32>
        %reduce_max3A = arith.constant dense<0xFF800000> : vector<512xf32>
        %reduce_max3A_130 = vector.multi_reduction <maximumf>, %select_n3A_129, %reduce_max3A [1] : vector<512x2048xf32> to vector<512xf32>
        %broadcast_in_dim3A_131 = vector.shape_cast %reduce_max3A_130 : vector<512xf32> to vector<512x1xf32>
        %max3A_132 = arith.maximumf %while3A_93, %broadcast_in_dim3A_131 : vector<512x1xf32>
        %sub3A_133 = vector.broadcast %max3A_132 : vector<512x1xf32> to vector<512x2048xf32>
        %sub3A_134 = arith.subf %select_n3A_129, %sub3A_133 : vector<512x2048xf32>
        %exp3A_135 = math.exp %sub3A_134 : vector<512x2048xf32>
        %sub3A_136 = arith.subf %while3A_93, %max3A_132 : vector<512x1xf32>
        %exp3A_137 = math.exp %sub3A_136 : vector<512x1xf32>
        %mul3A_138 = arith.mulf %while3A_94, %exp3A_137 : vector<512x1xf32>
        %reduce_sum3A_139 = arith.constant dense<0.000000e+00> : vector<512xf32>
        %reduce_sum3A_140 = vector.multi_reduction <add>, %exp3A_135, %reduce_sum3A_139 [1] : vector<512x2048xf32> to vector<512xf32>
        %broadcast_in_dim3A_141 = vector.shape_cast %reduce_sum3A_140 : vector<512xf32> to vector<512x1xf32>
        %add3A_142 = arith.addf %mul3A_138, %broadcast_in_dim3A_141 : vector<512x1xf32>
        scf.yield %max3A_132, %add3A_142 : vector<512x1xf32>, vector<512x1xf32>
      }
      %while3A_64 = arith.constant 1 : i32
      %while3A_65:2 = scf.for %while3A_92 = %while3A_61 to %while3A_57 step %while3A_64 iter_args(%while3A_93 = %while3A_63#0, %while3A_94 = %while3A_63#1) -> (vector<512x1xf32>, vector<512x1xf32>)  : i32 {
        %mul3A_95 = arith.constant 2048 : i32
        %mul3A_96 = arith.muli %while3A_92, %mul3A_95 : i32
        %get3A_97 = arith.index_cast %mul3A_96 : i32 to index
        %get3A_98 = arith.constant 0 : index
        %get3A_99 = vector.load %arg3[%get3A_97, %get3A_98] : memref<16384x128xbf16, #tpu.memory_space<vmem>>, vector<2048x128xbf16>
        %dot_general3A = arith.constant dense<0.000000e+00> : vector<512x2048xf32>
        %dot_general3A_100 = tpu.matmul %get3A_14, %get3A_99, %dot_general3A {dimension_numbers = #tpu.dot_dimension_numbers<[1], [1], [0], [0], [0, 0, 1, 0], [], []>, transpose_lhs_hint = false} : vector<512x128xbf16>, vector<2048x128xbf16>, vector<512x2048xf32> -> vector<512x2048xf32>
        %get3A_101 = arith.constant 0 : index
        %get3A_102 = arith.index_cast %mul3A_96 : i32 to index
        %get3A_103 = vector.load %arg9[%get3A_101, %get3A_102] : memref<1x16384xf32, #tpu.memory_space<vmem>>, vector<1x2048xf32>
        %get3A_104 = vector.shape_cast %get3A_103 : vector<1x2048xf32> to vector<2048xf32>
        %broadcast_in_dim3A_105 = vector.shape_cast %get3A_104 : vector<2048xf32> to vector<1x2048xf32>
        %sub3A_106 = vector.broadcast %broadcast_in_dim3A_105 : vector<1x2048xf32> to vector<512x2048xf32>
        %sub3A_107 = arith.subf %dot_general3A_100, %sub3A_106 : vector<512x2048xf32>
        %get3A_108 = arith.constant 0 : index
        %get3A_109 = arith.index_cast %mul3A_96 : i32 to index
        %get3A_110 = vector.load %arg8[%get3A_108, %get3A_109] : memref<1x16384xf32, #tpu.memory_space<vmem>>, vector<1x2048xf32>
        %get3A_111 = vector.shape_cast %get3A_110 : vector<1x2048xf32> to vector<2048xf32>
        %broadcast_in_dim3A_112 = vector.shape_cast %get3A_111 : vector<2048xf32> to vector<1x2048xf32>
        %gt3A_113 = arith.constant 0.000000e+00 : f32
        %gt3A_114 = vector.broadcast %gt3A_113 : f32 to vector<1x2048xf32>
        %gt3A_115 = arith.cmpf ogt, %broadcast_in_dim3A_112, %gt3A_114 : vector<1x2048xf32>
        %get3A_116 = arith.constant 0 : index
        %get3A_117 = arith.index_cast %mul3A_96 : i32 to index
        %get3A_118 = vector.load %arg7[%get3A_116, %get3A_117] : memref<1x16384xi32, #tpu.memory_space<vmem>>, vector<1x2048xi32>
        %get3A_119 = vector.shape_cast %get3A_118 : vector<1x2048xi32> to vector<2048xi32>
        %broadcast_in_dim3A_120 = vector.shape_cast %get3A_119 : vector<2048xi32> to vector<1x2048xi32>
        %eq3A_121 = vector.broadcast %get3A_29 : vector<512x1xi32> to vector<512x2048xi32>
        %eq3A_122 = vector.broadcast %broadcast_in_dim3A_120 : vector<1x2048xi32> to vector<512x2048xi32>
        %eq3A_123 = arith.cmpi eq, %eq3A_121, %eq3A_122 : vector<512x2048xi32>
        %or3A = vector.broadcast %gt3A_34 : vector<512x1xi1> to vector<512x2048xi1>
        %or3A_124 = arith.ori %eq3A_123, %or3A : vector<512x2048xi1>
        %and3A_125 = vector.broadcast %gt3A_115 : vector<1x2048xi1> to vector<512x2048xi1>
        %and3A_126 = arith.andi %and3A_125, %or3A_124 : vector<512x2048xi1>
        %jit3A_127 = arith.constant -3.000000e+38 : f32
        %broadcast_in_dim3A_128 = vector.broadcast %jit3A_127 : f32 to vector<512x2048xf32>
        %select_n3A_129 = arith.select %and3A_126, %sub3A_107, %broadcast_in_dim3A_128 : vector<512x2048xi1>, vector<512x2048xf32>
        %reduce_max3A = arith.constant dense<0xFF800000> : vector<512xf32>
        %reduce_max3A_130 = vector.multi_reduction <maximumf>, %select_n3A_129, %reduce_max3A [1] : vector<512x2048xf32> to vector<512xf32>
        %broadcast_in_dim3A_131 = vector.shape_cast %reduce_max3A_130 : vector<512xf32> to vector<512x1xf32>
        %max3A_132 = arith.maximumf %while3A_93, %broadcast_in_dim3A_131 : vector<512x1xf32>
        %sub3A_133 = vector.broadcast %max3A_132 : vector<512x1xf32> to vector<512x2048xf32>
        %sub3A_134 = arith.subf %select_n3A_129, %sub3A_133 : vector<512x2048xf32>
        %exp3A_135 = math.exp %sub3A_134 : vector<512x2048xf32>
        %sub3A_136 = arith.subf %while3A_93, %max3A_132 : vector<512x1xf32>
        %exp3A_137 = math.exp %sub3A_136 : vector<512x1xf32>
        %mul3A_138 = arith.mulf %while3A_94, %exp3A_137 : vector<512x1xf32>
        %reduce_sum3A_139 = arith.constant dense<0.000000e+00> : vector<512xf32>
        %reduce_sum3A_140 = vector.multi_reduction <add>, %exp3A_135, %reduce_sum3A_139 [1] : vector<512x2048xf32> to vector<512xf32>
        %broadcast_in_dim3A_141 = vector.shape_cast %reduce_sum3A_140 : vector<512xf32> to vector<512x1xf32>
        %add3A_142 = arith.addf %mul3A_138, %broadcast_in_dim3A_141 : vector<512x1xf32>
        scf.yield %max3A_132, %add3A_142 : vector<512x1xf32>, vector<512x1xf32>
      }
      %max3A = arith.maximumf %while3A_65#0, %sub3A : vector<512x1xf32>
      %sub3A_66 = arith.subf %while3A_65#0, %max3A : vector<512x1xf32>
      %exp3A = math.exp %sub3A_66 : vector<512x1xf32>
      %mul3A_67 = arith.mulf %while3A_65#1, %exp3A : vector<512x1xf32>
      %sub3A_68 = arith.subf %sub3A, %max3A : vector<512x1xf32>
      %exp3A_69 = math.exp %sub3A_68 : vector<512x1xf32>
      %add3A = arith.addf %mul3A_67, %exp3A_69 : vector<512x1xf32>
      %log3A = math.log %add3A : vector<512x1xf32>
      %add3A_70 = arith.addf %max3A, %log3A : vector<512x1xf32>
      %mul3A_71 = arith.constant 512 : i32
      %mul3A_72 = arith.muli %arg0, %mul3A_71 : i32
      %iota3A = tpu.iota {dimensions = array<i32: 0>} : vector<512x1xi32>
      %add3A_73 = vector.broadcast %mul3A_72 : i32 to vector<512x1xi32>
      %add3A_74 = arith.addi %add3A_73, %iota3A : vector<512x1xi32>
      %lt3A_75 = vector.broadcast %get3A_0 : i32 to vector<512x1xi32>
      %lt3A_76 = arith.cmpi slt, %add3A_74, %lt3A_75 : vector<512x1xi32>
      %sub3A_77 = arith.subf %add3A_70, %sub3A : vector<512x1xf32>
      %jit3A_78 = arith.constant 0.000000e+00 : f32
      %broadcast_in_dim3A_79 = vector.broadcast %jit3A_78 : f32 to vector<512x1xf32>
      %select_n3A_80 = arith.select %lt3A_76, %sub3A_77, %broadcast_in_dim3A_79 : vector<512x1xi1>, vector<512x1xf32>
      %get3A_81 = arith.constant 0 : index
      %get3A_82 = arith.constant 0 : index
      %get3A_83 = memref.load %arg11[%get3A_81, %get3A_82] : memref<1x1xf32, #tpu.memory_space<smem>>
      %reduce_sum3A_84 = vector.shape_cast %select_n3A_80 : vector<512x1xf32> to vector<1x512x1xf32>
      %reduce_sum3A_85 = arith.constant dense<0.000000e+00> : vector<1xf32>
      %reduce_sum3A_86 = vector.multi_reduction <add>, %reduce_sum3A_84, %reduce_sum3A_85 [1, 2] : vector<1x512x1xf32> to vector<1xf32>
      %reduce_sum3A_87 = vector.shape_cast %reduce_sum3A_86 : vector<1xf32> to vector<1x1x1xf32>
      %reduce_sum3A_88 = vector.extract %reduce_sum3A_87[0, 0, 0] : f32 from vector<1x1x1xf32>
      %add3A_89 = arith.addf %get3A_83, %reduce_sum3A_88 : f32
      %swap3A = arith.constant 0 : index
      %swap3A_90 = arith.constant 0 : index
      %swap3A_91 = memref.load %arg11[%swap3A, %swap3A_90] : memref<1x1xf32, #tpu.memory_space<smem>>
      memref.store %add3A_89, %arg11[%swap3A, %swap3A_90] : memref<1x1xf32, #tpu.memory_space<smem>>
    } else {
    }
    %eq3A_7 = arith.constant 31 : i32
    %eq3A_8 = arith.cmpi eq, %arg0, %eq3A_7 : i32
    %convert_element_type3A_9 = arith.extui %eq3A_8 : i1 to i32
    %cond3A_10 = arith.constant 0 : i32
    %cond3A_11 = arith.cmpi ne, %convert_element_type3A_9, %cond3A_10 : i32
    scf.if %cond3A_11 {
      %get3A_12 = arith.constant 0 : index
      %get3A_13 = arith.constant 0 : index
      %get3A_14 = memref.load %arg11[%get3A_12, %get3A_13] : memref<1x1xf32, #tpu.memory_space<smem>>
      %convert_element_type3A_15 = arith.sitofp %get3A_0 : i32 to f32
      %div3A = arith.divf %get3A_14, %convert_element_type3A_15 : f32
      %broadcast_in_dim3A = vector.broadcast %div3A : f32 to vector<1x1xf32>
      %swap3A = arith.constant 0 : index
      %swap3A_16 = arith.constant 0 : index
      %swap3A_17 = vector.load %arg10[%swap3A, %swap3A_16] : memref<1x1xf32, #tpu.memory_space<vmem>>, vector<1x1xf32>
      tpu.vector_store %arg10[%swap3A, %swap3A_16], %broadcast_in_dim3A {strides = array<i32>} : memref<1x1xf32, #tpu.memory_space<vmem>>, vector<1x1xf32>,
    } else {
    }
    return
  }
  func.func @transform_0(%arg0: i32, %arg1: memref<1xi32, #tpu.memory_space<smem>>) -> (i32, i32) {
    %c0_i32 = arith.constant 0 : i32
    %c0_i32_0 = arith.constant 0 : i32
    return %arg0, %c0_i32 : i32, i32
  }
  func.func @transform_1(%arg0: i32, %arg1: memref<1xi32, #tpu.memory_space<smem>>) -> (i32, i32) {
    %c0_i32 = arith.constant 0 : i32
    %c0_i32_0 = arith.constant 0 : i32
    %c0_i32_1 = arith.constant 0 : i32
    return %c0_i32, %c0_i32_0 : i32, i32
  }
  func.func @transform_2(%arg0: i32, %arg1: memref<1xi32, #tpu.memory_space<smem>>) -> (i32, i32) {
    %c0_i32 = arith.constant 0 : i32
    %c0_i32_0 = arith.constant 0 : i32
    return %arg0, %c0_i32 : i32, i32
  }
  func.func @transform_3(%arg0: i32, %arg1: memref<1xi32, #tpu.memory_space<smem>>) -> (i32, i32) {
    %c0_i32 = arith.constant 0 : i32
    %c0_i32_0 = arith.constant 0 : i32
    return %arg0, %c0_i32 : i32, i32
  }
  func.func @transform_4(%arg0: i32, %arg1: memref<1xi32, #tpu.memory_space<smem>>) -> (i32, i32) {
    %c0_i32 = arith.constant 0 : i32
    %c0_i32_0 = arith.constant 0 : i32
    return %arg0, %c0_i32 : i32, i32
  }
  func.func @transform_5(%arg0: i32, %arg1: memref<1xi32, #tpu.memory_space<smem>>) -> (i32, i32) {
    %c0_i32 = arith.constant 0 : i32
    %c0_i32_0 = arith.constant 0 : i32
    %c0_i32_1 = arith.constant 0 : i32
    return %c0_i32, %c0_i32_0 : i32, i32
  }
  func.func @transform_6(%arg0: i32, %arg1: memref<1xi32, #tpu.memory_space<smem>>) -> (i32, i32) {
    %c0_i32 = arith.constant 0 : i32
    %c0_i32_0 = arith.constant 0 : i32
    %c0_i32_1 = arith.constant 0 : i32
    return %c0_i32, %c0_i32_0 : i32, i32
  }
  func.func @transform_7(%arg0: i32, %arg1: memref<1xi32, #tpu.memory_space<smem>>) -> (i32, i32) {
    %c0_i32 = arith.constant 0 : i32
    %c0_i32_0 = arith.constant 0 : i32
    %c0_i32_1 = arith.constant 0 : i32
    return %c0_i32, %c0_i32_0 : i32, i32
  }
  func.func @transform_8(%arg0: i32, %arg1: memref<1xi32, #tpu.memory_space<smem>>) -> (i32, i32) {
    %c0_i32 = arith.constant 0 : i32
    %c0_i32_0 = arith.constant 0 : i32
    %c0_i32_1 = arith.constant 0 : i32
    return %c0_i32, %c0_i32_0 : i32, i32
  }
}

</mosaic_0001>

<sc_bundles>
// kernel: kernel.11.cloned.1.call-start
scs
__scs_entry_jumppad:
0x0: {  	(pc) =	sbr.rel $0x88, $3  }
0x1: {  	(tag) =	ssettag $0x0;
	lr =	simm.s32 $0x1  }
0x2: {  	[smem:$0x3F8F] =	sst lr;
	_ =	strace $0xD0000000  }
0x3: {  	_ = 	snop  }
0x4: {  	_ = 	snop  }
0x5: {  	_ = 	snop  }
0x6: {  	_ = 	snop  }
0x7: {  	_ = 	snop  }
__scs_overlays_trampoline_lowered:
0x8: {  	[smem:$0x3F9E] =	sst s0  }
0x9: {  	[smem:$0x3F9F] =	sst s1  }
0xa: {  	[smem:$0x3FA0] =	sst s2  }
0xb: {  	[smem:$0x3FA1] =	sst s3  }
0xc: {  	[smem:$0x3FA2] =	sst s4  }
0xd: {  	[smem:$0x3FA3] =	sst s5  }
0xe: {  	[smem:$0x3FA4] =	sst s6  }
0xf: {  	[smem:$0x3FA5] =	sst s7  }
0x10: {  	[smem:$0x3FA6] =	sst s8  }
0x11: {  	[smem:$0x3FA7] =	sst s9;
	s0 =	simm.s32 @!p0 $0x0  }
0x12: {  	s1 =	sld [smem:$0x3F8D];
	s0 =	simm.s32 @p0 $0x1  }
0x13: {  	[smem:$0x3FA8] =	sst s0;
	s0 =	simm.s32 @!p1 $0x0  }
0x14: {  	s2 =	sld [smem:$0x3F8C];
	s0 =	simm.s32 @p1 $0x1  }
0x15: {  	[smem:$0x3FA9] =	sst s0;
	s0 =	simm.s32 @!p2 $0x0  }
0x16: {  	s3 =	sld [smem:$0x3FDB];
	s0 =	simm.s32 @p2 $0x1  }
0x17: {  	s4 =	simm.s32 $0x1BF5;
	[smem:$0x3FAB] =	sst s0  }
0x18: {  	s0 =	sld [smem:$0x3F8E];
	_ =	swait.ge [sflag:s4], $0x0  }
0x19: {  	s7 =	sld [smem:$0x3F8F]  }
0x1a: {  	s8 =	sadd.s32 $0xFFFFE003, lr  }
0x1b: {  	s9 =	sadd.s32 $0xFFFFFEF7, lr;
	s5 =	simm.s32 $0xFFFFFFFF;
	p2 =	slt.u32 s8, $0xFFFFF086  }
0x1c: {  	p1 =	slt.u32 s9, $0xF7A;
	s5 =	simm.s32 @!p2 $0x0  }
0x1d: {  	s5 =	simm.s32 @p1 $0x1;
	p0 =	seq.s32 s7, s2  }
0x1e: {  	s7 =	smul.u32 @!p0 $0xF7A, s2;
	p2 =	seq.s32 @!p0 s5, $0x0  }
0x1f: {  	s9 =	smul.u32 $0xF7A, s1;
	s8 =	simm.s32 @!p0 $0x1BF5;
	p2 =	por !p2, p0  }
0x20: {  	[sflag:s8] =	ssyncset.s32 @!p0 $0xFFFFF086;
	s6 =	sadd.s32 @!p0 s3, s7;
	s7 =	simm.s32 @!p0 $0x108  }
0x21: {  	s3 =	sadd.s32 s3, s9;
	s6 =	sadd.s32 @!p0 $0x88, s6;
	s7 =	simm.s32 @p2 $0x1082  }
0x22: {  	[simem:s7], [sflag:s8] =	dma.local @!p0 [hbm:s6], $0xF7A  }
0x23: {  	s9 =	sor.u32 $0xD0000000, s2;
	s6 =	simm.s32 $0x108;
	_ =	swait.ge @!p0 [sflag:s8], $0x0  }
0x24: {  	s3 =	sadd.s32 $0x88, s3;
	s6 =	simm.s32 @!p1 $0x1082;
	[sflag:s4] =	ssyncset.s32 $0xFFFFF086  }
0x25: {  	[simem:s6], [sflag:s4] =	dma.local [hbm:s3], $0xF7A  }
0x26: {  	[smem:$0x3F8F] =	sst s1;
	(tag) =	ssettag s2;
	_ =	strace s9  }
0x27: {  	s1 =	sld [smem:$0x3F9F]  }
0x28: {  	s2 =	sld [smem:$0x3FA0]  }
0x29: {  	s4 =	sld [smem:$0x3FA2]  }
0x2a: {  	p0 =	seq.s32 s5, $0x0;
	s5 =	sld [smem:$0x3FA3]  }
0x2b: {  	s6 =	sld [smem:$0x3FA4]  }
0x2c: {  	s7 =	sld [smem:$0x3FA5]  }
0x2d: {  	s3 =	simm.s32 $0x108;
	s8 =	sld [smem:$0x3FA6]  }
0x2e: {  	s3 =	simm.s32 @!p0 $0x1082;
	s9 =	sld [smem:$0x3FA7]  }
0x2f: {  	lr =	sadd.s32 s0, s3;
	s0 =	sld [smem:$0x3F9E]  }
0x30: {  	s3 =	sld [smem:$0x3FA1]  }
0x31: {  	[smem:$0x3FAA] =	sst s10  }
0x32: {  	s10 =	sld [smem:$0x3FA8];
	_ =	sdelay $0x3  }
0x33: {  	p0 =	seq.s32 s10, $0x1;
	s10 =	sld [smem:$0x3FAA];
	_ =	sdelay $0x3  }
0x34: {  	[smem:$0x3FAA] =	sst s10  }
0x35: {  	s10 =	sld [smem:$0x3FA9];
	_ =	sdelay $0x3  }
0x36: {  	p1 =	seq.s32 s10, $0x1;
	s10 =	sld [smem:$0x3FAA];
	_ =	sdelay $0x3  }
0x37: {  	[smem:$0x3FAA] =	sst s10  }
0x38: {  	s10 =	sld [smem:$0x3FAB]  }
0x39: {  	_ = 	snop;
	(pc) =	sbr.ind lr, $3  }
0x3a: {  	_ = 	snop  }
0x3b: {  	_ = 	snop  }
0x3c: {  	p2 =	seq.s32 s10, $0x1;
	s10 =	sld [smem:$0x3FAA]  }
0x3d: {  	_ =	shalt  }
0x3e: {  	_ =	shalt  }
0x3f: {  	_ =	shalt  }
0x40: {  	_ =	shalt  }
0x41: {  	_ =	shalt  }
0x42: {  	_ =	shalt  }
0x43: {  	_ =	shalt  }
0x44: {  	_ =	shalt  }
0x45: {  	_ =	shalt  }
0x46: {  	_ =	shalt  }
0x47: {  	_ =	shalt  }
0x48: {  	_ =	shalt  }
0x49: {  	_ =	shalt  }
0x4a: {  	_ =	shalt  }
0x4b: {  	_ =	shalt  }
0x4c: {  	_ =	shalt  }
0x4d: {  	_ =	shalt  }
0x4e: {  	_ =	shalt  }
0x4f: {  	_ =	shalt  }
0x50: {  	_ =	shalt  }
0x51: {  	_ =	shalt  }
0x52: {  	_ =	shalt  }
0x53: {  	_ =	shalt  }
0x54: {  	_ =	shalt  }
0x55: {  	_ =	shalt  }
0x56: {  	_ =	shalt  }
0x57: {  	_ =	shalt  }
0x58: {  	_ =	shalt  }
0x59: {  	_ =	shalt  }
0x5a: {  	_ =	shalt  }
0x5b: {  	_ =	shalt  }
0x5c: {  	_ =	shalt  }
0x5d: {  	_ =	shalt  }
0x5e: {  	_ =	shalt  }
0x5f: {  	_ =	shalt  }
0x60: {  	_ =	shalt  }
0x61: {  	_ =	shalt  }
0x62: {  	_ =	shalt  }
0x63: {  	_ =	shalt  }
0x64: {  	_ =	shalt  }
0x65: {  	_ =	shalt  }
0x66: {  	_ =	shalt  }
0x67: {  	_ =	shalt  }
0x68: {  	_ =	shalt  }
0x69: {  	_ =	shalt  }
0x6a: {  	_ =	shalt  }
0x6b: {  	_ =	shalt  }
0x6c: {  	_ =	shalt  }
0x6d: {  	_ =	shalt  }
0x6e: {  	_ =	shalt  }
0x6f: {  	_ =	shalt  }
0x70: {  	_ =	shalt  }
0x71: {  	_ =	shalt  }
0x72: {  	_ =	shalt  }
0x73: {  	_ =	shalt  }
0x74: {  	_ =	shalt  }
0x75: {  	_ =	shalt  }
0x76: {  	_ =	shalt  }
0x77: {  	_ =	shalt  }
0x78: {  	_ =	shalt  }
0x79: {  	_ =	shalt  }
0x7a: {  	_ =	shalt  }
0x7b: {  	_ =	shalt  }
0x7c: {  	_ =	shalt  }
0x7d: {  	_ =	shalt  }
0x7e: {  	_ =	shalt  }
0x7f: {  	_ =	shalt  }
0x80: {  	_ =	shalt  }
0x81: {  	_ =	shalt  }
0x82: {  	_ =	shalt  }
0x83: {  	_ =	shalt  }
0x84: {  	_ =	shalt  }
0x85: {  	_ =	shalt  }
0x86: {  	_ =	shalt  }
0x87: {  	_ =	shalt  }
.Lfunc_end0:
.L_simem_size_0:
called_computation.1_lowered:
.L_overlay_start_0:
0x88: {  	s2 =	sld [smem:$0x3FD9]  }
0x89: {  	s3 =	sld [smem:$0x3FFE];
	_ =	sdelay $0x1  }
0x8a: {  	s1 =	srdreg.scid  }
0x8b: {  	s0 =	sand.u32 $0x1, s1  }
0x8c: {  	s17 =	sshll.u32 s0, $0xA;
	s2 =	sadd.s32 s3, s2  }
0x8d: {  	s2 =	sadd.s32 s2, s17  }
0x8e: {  	[smem:$0x3FB6] =	sst s2  }
0x8f: {  	_ = 	snop  }
0x90: {  	s18 =	sld [smem:$0x3FC9]  }
0x91: {  	s4 =	sld [smem:$0x3FC8]  }
0x92: {  	s5 =	sld [smem:$0x3FC7]  }
0x93: {  	s6 =	sld [smem:$0x3FC6]  }
0x94: {  	s7 =	sld [smem:$0x3FC3]  }
0x95: {  	s8 =	sld [smem:$0x3FC2]  }
0x96: {  	s9 =	sld [smem:$0x3FC1]  }
0x97: {  	s10 =	sld [smem:$0x3FC0];
	(tm) =	ssettm $0x1  }
0x98: {  	s19 =	sld [smem:$0x3FFB];
	_ =	sdelay $0x3  }
0x99: {  	_ =	strace s19  }
0x9a: {  	s2 =	sld [smem:$0x3FFC];
	_ =	sdelay $0x3  }
0x9b: {  	_ =	strace s2  }
0x9c: {  	s2 =	sld [smem:$0x3FFD];
	_ =	sdelay $0x3  }
0x9d: {  	_ =	strace s2  }
0x9e: {  	_ =	strace $0x8FFFFFFF  }
0x9f: {  	s20 =	sld [smem:$0x3FDB];
	_ =	sdelay $0x1  }
0xa0: {  	s11 =	simm.s32 $_scs_section_size  }
0xa1: {  	s12 =	simm.s32 $_size__tile_overlayer_lowered;
	s13 =	simm.s32 $_tile_overlayer_lowered  }
0xa2: {  	s14 =	simm.s32 $0x1BFF;
	s21 =	sshll.u32 s13, $0x1;
	s11 =	sadd.s32 s11, s20  }
0xa3: {  	s22 =	simm.s32 $0x0;
	s12 =	sshll.u32 s12, $0x1;
	s13 =	sadd.s32 s21, s11  }
0xa4: {  	[timem:s22], [sflag:s14] =	dma.local [hbm:s13], s12  }
0xa5: {  	_ =	swait.ge [sflag:s14], s12  }
0xa6: {  	s12 =	ssub.s32 $0x0, s12;
	[sflag:s14] =	ssyncset.done $0x0  }
0xa7: {  	[sflag:s14] =	ssyncadd.s32 s12;
	_ =	sdelay $0x1  }
0xa8: {  	s23 =	simm.s32 $0x1B8B  }
0xa9: {  	_ =	swait.ge [sflag:s23], $0x1  }
0xaa: {  	[sflag:s23] =	ssyncset.done $0x0  }
0xab: {  	[sflag:s23] =	ssyncadd.s32 $0xFFFFFFFF  }
0xac: {  	s12 =	sld [smem:$0x0]  }
0xad: {  	s13 =	sand.u32 $0xFFFFFFFE, s1  }
0xae: {  	p0 =	sne.s32 s1, s13  }
0xaf: {  	s13 =	sshll.u32 @p0 s13, $0xE  }
0xb0: {  	s13 =	sadd.s32 @p0 $0x11B8D, s13;
	s14 =	sshll.u32 @p0 s12, $0x11  }
0xb1: {  	s13 =	sor.u32 @p0 s14, s13  }
0xb2: {  	[sflag:s13] =	ssyncadd.remote.s32 @p0 $0x1;
	_ =	sdelay $0x1  }
0xb3: {  	s13 =	simm.s32 @p0 $0x1B8D  }
0xb4: {  	_ =	swait.eq @p0 [sflag:s13], $0x1  }
0xb5: {  	[sflag:s13] =	ssyncadd.s32 @p0 $0xFFFFFFFF  }
0xb6: {  	s14 =	sshll.u32 @!p0 s1, $0xE  }
0xb7: {  	s14 =	sor.u32 @!p0 $0x4000, s14;
	s13 =	simm.s32 @!p0 $0x1B8D  }
0xb8: {  	s12 =	sshll.u32 @!p0 s12, $0x11;
	s14 =	sadd.s32 @!p0 $0x11B8D, s14;
	_ =	swait.eq @!p0 [sflag:s13], $0x1  }
0xb9: {  	s12 =	sor.u32 @!p0 s12, s14;
	[sflag:s13] =	ssyncadd.s32 @!p0 $0xFFFFFFFF  }
0xba: {  	s25 =	simm.s32 $0x1B8E;
	s24 =	sld [smem:$0x3FFE];
	[sflag:s12] =	ssyncadd.remote.s32 @!p0 $0x1  }
0xbb: {  	s26 =	simm.s32 $execute0_lowered;
	[smem:$0x3FD2] =	sst s25  }
0xbc: {  	s13 =	sshll.u32 s26, $0x1;
	_ =	strace $0x80000049;
	[dreg:$0x1] =	wrdreg $0xFFFFFFFF  }
0xbd: {  	s28 =	simm.s32 $_size_execute0_lowered;
	s11 =	sadd.s32 s11, s13;
	[dreg:$0x0] =	wrdreg $0x0  }
0xbe: {  	s13 =	sshll.u32 s28, $0x1;
	[dreg:$0x2] =	wrdreg s11  }
0xbf: {  	[dreg:$0x3] =	wrdreg s13  }
0xc0: {  	[dreg:$0x4] =	wrdreg $0xC0  }
0xc1: {  	_ =	task [dreg:s22], $0x5FFFF  }
0xc2: {  	[dreg:$0x1] =	wrdreg $0xFFFFFFFF  }
0xc3: {  	[dreg:$0x0] =	wrdreg $0x60  }
0xc4: {  	[dreg:$0x2] =	wrdreg s7  }
0xc5: {  	[dreg:$0x3] =	wrdreg s8  }
0xc6: {  	[dreg:$0x4] =	wrdreg s9  }
0xc7: {  	[dreg:$0x5] =	wrdreg s10  }
0xc8: {  	[dreg:$0x6] =	wrdreg s18  }
0xc9: {  	[dreg:$0x7] =	wrdreg s4  }
0xca: {  	[dreg:$0x8] =	wrdreg s5  }
0xcb: {  	[dreg:$0x9] =	wrdreg s6  }
0xcc: {  	[dreg:$0xa] =	wrdreg s24  }
0xcd: {  	[dreg:$0xb] =	wrdreg $0xA  }
0xce: {  	_ =	task.clear_ibuf [dreg:s22], $0xCFFFF;
	_ =	strace $0x90000049  }
0xcf: {  	s29 =	simm.s32 $0xA;
	_ =	strace $0x8000004B  }
0xd0: {  	_ =	swait.ge [sflag:s29], $0x1  }
0xd1: {  	[sflag:s29] =	ssyncadd.s32 $0xFFFFFFFF  }
0xd2: {  	_ =	strace $0x9000004B  }
0xd3: {  	_ =	sfence  }
0xd4: {  	s30 =	sld [smem:$0x0];
	_ =	sdelay $0x2  }
0xd5: {  	s31 =	sshll.u32 s1, $0xD;
	s1 =	sshrl.u32 s1, $0x2  }
0xd6: {  	s4 =	sand.u32 $0x4000, s31;
	s1 =	sadd.s32 s1, s30  }
0xd7: {  	s0 =	sor.u32 s4, s0;
	s1 =	sshll.u32 s1, $0x11  }
0xd8: {  	s0 =	sor.u32 s1, s0  }
0xd9: {  	s0 =	sadd.s32 $0x8F2B, s0  }
0xda: {  	[sflag:s0] =	ssyncadd.remote.s32 $0x1  }
0xdb: {  	_ =	sfence.sel $0xFFFF  }
0xdc: {  	[dreg:$0x0] =	wrdreg $0xFFFFFFFF;
	(pc) =	sbr.abs _section_cstart, $3  }
0xdd: {  	[dreg:$0x1] =	wrdreg $0xFFFFFFFF  }
0xde: {  	_ =	task.clear_ibuf [dreg:s22], $0x2FFFF;
	_ =	strace $0x9FFFFFFF  }
0xdf: {  	(tm) =	ssettm $0x7FFFFFFF  }
tec
execute0_lowered:
.L_overlay_start_1:
0x0: {  	(tag) =	ssettag $0x1  }
0x1: {  	s0 =	rddreg [dreg:$0x0]  }
0x2: {  	s1 =	rddreg [dreg:$0x1]  }
0x3: {  	s2 =	rddreg [dreg:$0x2]  }
0x4: {  	s4 =	rddreg [dreg:$0x3]  }
0x5: {  	s10 =	rddreg [dreg:$0x4]  }
0x6: {  	s14 =	rddreg [dreg:$0x5]  }
0x7: {  	s16 =	rddreg [dreg:$0x6];
	s6 =	srdreg.scid  }
0x8: {  	s18 =	rddreg [dreg:$0x7];
	s5 =	stileid.u32;
	s20 =	sand.u32 $0x1, s6  }
0x9: {  	s19 =	rddreg [dreg:$0x8];
	s7 =	sshll.u32 s5, $0x7;
	s8 =	sshll.u32 s20, $0x6  }
0xa: {  	s3 =	rddreg [dreg:$0x9];
	s6 =	simm.s32 $0x0;
	s21 =	sor.u32 s8, s7  }
0xb: {  	s9 =	simm.s32 $0x200;
	[smem:$0x7FF] =	sst s6;
	s7 =	sadd.s32 s21, s19  }
0xc: {  	_ =	strace $0x8000004A;
	s8 =	simm.s32 $0x2;
	s7 =	sadd.s32 $0x3000, s7  }
0xd: {  	[tilespmem:s9], [sflag:$0x2] =	stream.linear.gather [hbm4b:s7+s6], $0x200, $0x38;
	[tilespmem:$0x10400] =	vst v63  }
0xe: {  	_ =	swait.ge [sflag:s8], $0x200  }
0xf: {  	[sflag:s8] =	ssyncset.done $0x0  }
0x10: {  	s10 =	sadd.s32 s10, s21;
	[sflag:s8] =	ssyncadd.s32 $0xFFFFFE00  }
0x11: {  	[tilespmem:s6], [sflag:$0x2] =	stream.linear.gather [hbm4b:s10+s6], $0x200, $0x38;
	[tilespmem:$0x10400] =	vst v63  }
0x12: {  	_ =	swait.ge [sflag:s8], $0x200  }
0x13: {  	[sflag:s8] =	ssyncset.done $0x0  }
0x14: {  	s11 =	simm.s32 $0x400;
	s12 =	simm.s32 $0x1;
	[sflag:s8] =	ssyncadd.s32 $0xFFFFFE00  }
0x15: {  	[tilespmem:s11], [sflag:$0x1] =	stream.indirect.gather [hbm4b:s0+s9], $0x80, s6, s9, $0xb8;
	[tilespmem:$0x10400] =	vst v63  }
0x16: {  	_ =	swait.ge [sflag:s12], $0x10000  }
0x17: {  	[sflag:s12] =	ssyncset.done $0x0  }
0x18: {  	s13 =	sadd.s32 $0x83800, s19;
	[sflag:s12] =	ssyncadd.s32 $0xFFFF0000  }
0x19: {  	[hbm4b:s13+s9] =	stream.indirect.scatter [tilespmem:s11], [sflag:$0x2], $0x80, s9, s9, $0xb8;
	[tilespmem:$0x10400] =	vst v63  }
0x1a: {  	_ =	swait.ge [sflag:s8], $0x10000  }
0x1b: {  	[sflag:s8] =	ssyncset.done $0x0  }
0x1c: {  	s14 =	sadd.s32 s14, s21;
	[sflag:s8] =	ssyncadd.s32 $0xFFFF0000  }
0x1d: {  	[tilespmem:s6], [sflag:$0x2] =	stream.linear.gather [hbm4b:s14+s6], $0x200, $0x38;
	[tilespmem:$0x10400] =	vst v63  }
0x1e: {  	_ =	swait.ge [sflag:s8], $0x200  }
0x1f: {  	[sflag:s8] =	ssyncset.done $0x0  }
0x20: {  	[sflag:s8] =	ssyncadd.s32 $0xFFFFFE00  }
0x21: {  	[tilespmem:s11], [sflag:$0x1] =	stream.indirect.gather [hbm4b:s1+s9], $0x80, s6, s9, $0xb8;
	[tilespmem:$0x10400] =	vst v63  }
0x22: {  	_ =	swait.ge [sflag:s12], $0x10000  }
0x23: {  	[sflag:s12] =	ssyncset.done $0x0  }
0x24: {  	s15 =	sadd.s32 $0xC3800, s19;
	[sflag:s12] =	ssyncadd.s32 $0xFFFF0000  }
0x25: {  	[hbm4b:s15+s9] =	stream.indirect.scatter [tilespmem:s11], [sflag:$0x2], $0x80, s9, s9, $0xb8;
	[tilespmem:$0x10400] =	vst v63  }
0x26: {  	_ =	swait.ge [sflag:s8], $0x10000  }
0x27: {  	[sflag:s8] =	ssyncset.done $0x0  }
0x28: {  	s16 =	sadd.s32 s16, s21;
	[sflag:s8] =	ssyncadd.s32 $0xFFFF0000  }
0x29: {  	[tilespmem:s6], [sflag:$0x2] =	stream.linear.gather [hbm4b:s16+s6], $0x200, $0x38;
	[tilespmem:$0x10400] =	vst v63  }
0x2a: {  	_ =	swait.ge [sflag:s8], $0x200  }
0x2b: {  	[sflag:s8] =	ssyncset.done $0x0  }
0x2c: {  	[sflag:s8] =	ssyncadd.s32 $0xFFFFFE00  }
0x2d: {  	[tilespmem:s11], [sflag:$0x1] =	stream.indirect.gather [hbm4b:s2+s9], $0x80, s6, s9, $0xb8;
	[tilespmem:$0x10400] =	vst v63  }
0x2e: {  	_ =	swait.ge [sflag:s12], $0x10000  }
0x2f: {  	[sflag:s12] =	ssyncset.done $0x0  }
0x30: {  	s17 =	sadd.s32 $0x103800, s19;
	[sflag:s12] =	ssyncadd.s32 $0xFFFF0000  }
0x31: {  	[hbm4b:s17+s9] =	stream.indirect.scatter [tilespmem:s11], [sflag:$0x2], $0x80, s9, s9, $0xb8;
	[tilespmem:$0x10400] =	vst v63  }
0x32: {  	_ =	swait.ge [sflag:s8], $0x10000  }
0x33: {  	[sflag:s8] =	ssyncset.done $0x0  }
0x34: {  	s20 =	ssub.s32 $0x2, s20;
	s18 =	sadd.s32 s18, s21;
	[sflag:s8] =	ssyncadd.s32 $0xFFFF0000  }
0x35: {  	[tilespmem:s6], [sflag:$0x2] =	stream.linear.gather [hbm4b:s18+s6], $0x200, $0x38;
	[tilespmem:$0x10400] =	vst v63  }
0x36: {  	s31 =	sshrl.u32 s20, $0x1;
	_ =	swait.ge [sflag:s8], $0x200  }
0x37: {  	s20 =	ssub.s32 s20, s31;
	[sflag:s8] =	ssyncset.done $0x0  }
0x38: {  	s20 =	smax.u32 s20, $0x1;
	[sflag:s8] =	ssyncadd.s32 $0xFFFFFE00  }
0x39: {  	[tilespmem:s11], [sflag:$0x1] =	stream.indirect.gather [hbm4b:s4+s9], $0x80, s6, s9, $0xb8;
	[tilespmem:$0x10400] =	vst v63  }
0x3a: {  	p0 =	sne.s32 s20, $0x1;
	_ =	swait.ge [sflag:s12], $0x10000  }
.Ltmp0:
0x3b: {  	[sflag:s12] =	ssyncset.done $0x0;
	(pc) =	sbr.rel @!p0 .LBB2_2-.Ltmp0, $4  }
0x3c: {  	s19 =	sadd.s32 $0x143800, s19;
	[sflag:s12] =	ssyncadd.s32 $0xFFFF0000  }
0x3d: {  	[hbm4b:s19+s9] =	stream.indirect.scatter [tilespmem:s11], [sflag:$0x2], $0x80, s9, s9, $0xb8;
	[tilespmem:$0x10400] =	vst v63  }
0x3e: {  	_ =	swait.ge [sflag:s8], $0x10000  }
0x3f: {  	s20 =	sadd.s32 $0xFFFFFFFF, s20;
	[sflag:s8] =	ssyncset.done $0x0  }
.LBB2_1:
0x40: {  	p0 =	sne.s32 s20, $0x1;
	s20 =	sadd.s32 $0xFFFFFFFF, s20;
	[sflag:s8] =	ssyncadd.s32 $0xFFFF0000  }
0x41: {  	[tilespmem:s9], [sflag:$0x2] =	stream.linear.gather [hbm4b:s7+s6], $0x200, $0x38;
	[tilespmem:$0x10400] =	vst v63  }
0x42: {  	_ =	swait.ge [sflag:s8], $0x200  }
0x43: {  	[sflag:s8] =	ssyncset.done $0x0  }
0x44: {  	[sflag:s8] =	ssyncadd.s32 $0xFFFFFE00  }
0x45: {  	[tilespmem:s6], [sflag:$0x2] =	stream.linear.gather [hbm4b:s10+s6], $0x200, $0x38;
	[tilespmem:$0x10400] =	vst v63  }
0x46: {  	_ =	swait.ge [sflag:s8], $0x200  }
0x47: {  	[sflag:s8] =	ssyncset.done $0x0  }
0x48: {  	[sflag:s8] =	ssyncadd.s32 $0xFFFFFE00  }
0x49: {  	[tilespmem:s11], [sflag:$0x1] =	stream.indirect.gather [hbm4b:s0+s9], $0x80, s6, s9, $0xb8;
	[tilespmem:$0x10400] =	vst v63  }
0x4a: {  	_ =	swait.ge [sflag:s12], $0x10000  }
0x4b: {  	[sflag:s12] =	ssyncset.done $0x0  }
0x4c: {  	[sflag:s12] =	ssyncadd.s32 $0xFFFF0000  }
0x4d: {  	[hbm4b:s13+s9] =	stream.indirect.scatter [tilespmem:s11], [sflag:$0x2], $0x80, s9, s9, $0xb8;
	[tilespmem:$0x10400] =	vst v63  }
0x4e: {  	_ =	swait.ge [sflag:s8], $0x10000  }
0x4f: {  	[sflag:s8] =	ssyncset.done $0x0  }
0x50: {  	[sflag:s8] =	ssyncadd.s32 $0xFFFF0000  }
0x51: {  	[tilespmem:s6], [sflag:$0x2] =	stream.linear.gather [hbm4b:s14+s6], $0x200, $0x38;
	[tilespmem:$0x10400] =	vst v63  }
0x52: {  	_ =	swait.ge [sflag:s8], $0x200  }
0x53: {  	[sflag:s8] =	ssyncset.done $0x0  }
0x54: {  	[sflag:s8] =	ssyncadd.s32 $0xFFFFFE00  }
0x55: {  	[tilespmem:s11], [sflag:$0x1] =	stream.indirect.gather [hbm4b:s1+s9], $0x80, s6, s9, $0xb8;
	[tilespmem:$0x10400] =	vst v63  }
0x56: {  	_ =	swait.ge [sflag:s12], $0x10000  }
0x57: {  	[sflag:s12] =	ssyncset.done $0x0  }
0x58: {  	[sflag:s12] =	ssyncadd.s32 $0xFFFF0000  }
0x59: {  	[hbm4b:s15+s9] =	stream.indirect.scatter [tilespmem:s11], [sflag:$0x2], $0x80, s9, s9, $0xb8;
	[tilespmem:$0x10400] =	vst v63  }
0x5a: {  	_ =	swait.ge [sflag:s8], $0x10000  }
0x5b: {  	[sflag:s8] =	ssyncset.done $0x0  }
0x5c: {  	[sflag:s8] =	ssyncadd.s32 $0xFFFF0000  }
0x5d: {  	[tilespmem:s6], [sflag:$0x2] =	stream.linear.gather [hbm4b:s16+s6], $0x200, $0x38;
	[tilespmem:$0x10400] =	vst v63  }
0x5e: {  	_ =	swait.ge [sflag:s8], $0x200  }
0x5f: {  	[sflag:s8] =	ssyncset.done $0x0  }
0x60: {  	[sflag:s8] =	ssyncadd.s32 $0xFFFFFE00  }
0x61: {  	[tilespmem:s11], [sflag:$0x1] =	stream.indirect.gather [hbm4b:s2+s9], $0x80, s6, s9, $0xb8;
	[tilespmem:$0x10400] =	vst v63  }
0x62: {  	_ =	swait.ge [sflag:s12], $0x10000  }
0x63: {  	[sflag:s12] =	ssyncset.done $0x0  }
0x64: {  	[sflag:s12] =	ssyncadd.s32 $0xFFFF0000  }
0x65: {  	[hbm4b:s17+s9] =	stream.indirect.scatter [tilespmem:s11], [sflag:$0x2], $0x80, s9, s9, $0xb8;
	[tilespmem:$0x10400] =	vst v63  }
0x66: {  	_ =	swait.ge [sflag:s8], $0x10000  }
0x67: {  	[sflag:s8] =	ssyncset.done $0x0  }
0x68: {  	[sflag:s8] =	ssyncadd.s32 $0xFFFF0000  }
0x69: {  	[tilespmem:s6], [sflag:$0x2] =	stream.linear.gather [hbm4b:s18+s6], $0x200, $0x38;
	[tilespmem:$0x10400] =	vst v63  }
0x6a: {  	_ =	swait.ge [sflag:s8], $0x200  }
0x6b: {  	[sflag:s8] =	ssyncset.done $0x0  }
0x6c: {  	[sflag:s8] =	ssyncadd.s32 $0xFFFFFE00  }
0x6d: {  	[tilespmem:s11], [sflag:$0x1] =	stream.indirect.gather [hbm4b:s4+s9], $0x80, s6, s9, $0xb8;
	[tilespmem:$0x10400] =	vst v63  }
0x6e: {  	_ =	swait.ge [sflag:s12], $0x10000  }
.Ltmp1:
0x6f: {  	[sflag:s12] =	ssyncset.done $0x0;
	(pc) =	sbr.rel @p0 .LBB2_1-.Ltmp1, $4  }
0x70: {  	[sflag:s12] =	ssyncadd.s32 $0xFFFF0000  }
0x71: {  	[hbm4b:s19+s9] =	stream.indirect.scatter [tilespmem:s11], [sflag:$0x2], $0x80, s9, s9, $0xb8;
	[tilespmem:$0x10400] =	vst v63  }
0x72: {  	_ =	swait.ge [sflag:s8], $0x10000  }
0x73: {  	[sflag:s8] =	ssyncset.done $0x0  }
.LBB2_2:
0x74: {  	[sflag:s8] =	ssyncadd.s32 $0xFFFF0000  }
0x75: {  	_ =	sfence.sel $0x180000  }
0x76: {  	[bflag:$0x0] =	sbarrier.arrive $0xFFFF  }
0x77: {  	p0 =	sne.s32 s5, $0x0;
	_ =	strace $0x9000004A  }
0x78: {  	s0 =	sadd.s32 @!p0 $0x100000, s3;
	[bflag:$0x2] =	sbarrier.arrive $0xFFFF  }
0x79: {  	[sflag:s0] =	ssyncadd.tile.s32 @!p0 $0x1;
	_ =	shalt  }
.Lfunc_end2:
_tile_overlayer_lowered:
.L_overlay_start_2:
0x7a: {  	(tag) =	ssettag $0x2  }
0x7b: {  	s0 =	rddreg [dreg:$0x0];
	s2 =	stileid.u32  }
0x7c: {  	s1 =	rddreg [dreg:$0x1];
	p0 =	sne.s32 s2, $0x0  }
0x7d: {  	s3 =	rddreg [dreg:$0x2];
	[bflag:$0x3] =	sbarrier.arrive $0xFFFF;
	s2 =	simm.s32 @!p0 $0x1C02  }
0x7e: {  	[timem:s3], [sflag:s2] =	dma.local @!p0 [hbm:s0], s1  }
0x7f: {  	s0 =	simm.s32 @!p0 $0x2  }
0x80: {  	_ =	swait.ge @!p0 [sflag:s0], s1  }
0x81: {  	s1 =	ssub.s32 @!p0 $0x0, s1;
	[sflag:s0] =	ssyncset.done @!p0 $0x0  }
0x82: {  	[sflag:s0] =	ssyncadd.s32 @!p0 s1  }
0x83: {  	[bflag:$0x3] =	sbarrier.arrive $0xFFFF  }
0x84: {  	_ =	shalt  }

// kernel: kernel.8.cloned.1.call-start
scs
__scs_entry_jumppad:
0x0: {  	(pc) =	sbr.rel $0x88, $3  }
0x1: {  	(tag) =	ssettag $0x0;
	lr =	simm.s32 $0x1  }
0x2: {  	[smem:$0x3F8F] =	sst lr;
	_ =	strace $0xD0000000  }
0x3: {  	_ = 	snop  }
0x4: {  	_ = 	snop  }
0x5: {  	_ = 	snop  }
0x6: {  	_ = 	snop  }
0x7: {  	_ = 	snop  }
__scs_overlays_trampoline_lowered:
0x8: {  	[smem:$0x3F9E] =	sst s0  }
0x9: {  	[smem:$0x3F9F] =	sst s1  }
0xa: {  	[smem:$0x3FA0] =	sst s2  }
0xb: {  	[smem:$0x3FA1] =	sst s3  }
0xc: {  	[smem:$0x3FA2] =	sst s4  }
0xd: {  	[smem:$0x3FA3] =	sst s5  }
0xe: {  	[smem:$0x3FA4] =	sst s6  }
0xf: {  	[smem:$0x3FA5] =	sst s7  }
0x10: {  	[smem:$0x3FA6] =	sst s8  }
0x11: {  	[smem:$0x3FA7] =	sst s9;
	s0 =	simm.s32 @!p0 $0x0  }
0x12: {  	s1 =	sld [smem:$0x3F8D];
	s0 =	simm.s32 @p0 $0x1  }
0x13: {  	[smem:$0x3FA8] =	sst s0;
	s0 =	simm.s32 @!p1 $0x0  }
0x14: {  	s2 =	sld [smem:$0x3F8C];
	s0 =	simm.s32 @p1 $0x1  }
0x15: {  	[smem:$0x3FA9] =	sst s0;
	s0 =	simm.s32 @!p2 $0x0  }
0x16: {  	s3 =	sld [smem:$0x3FDB];
	s0 =	simm.s32 @p2 $0x1  }
0x17: {  	s4 =	simm.s32 $0x1BF5;
	[smem:$0x3FAB] =	sst s0  }
0x18: {  	s0 =	sld [smem:$0x3F8E];
	_ =	swait.ge [sflag:s4], $0x0  }
0x19: {  	s7 =	sld [smem:$0x3F8F]  }
0x1a: {  	s8 =	sadd.s32 $0xFFFFE003, lr  }
0x1b: {  	s9 =	sadd.s32 $0xFFFFFEF7, lr;
	s5 =	simm.s32 $0xFFFFFFFF;
	p2 =	slt.u32 s8, $0xFFFFF086  }
0x1c: {  	p1 =	slt.u32 s9, $0xF7A;
	s5 =	simm.s32 @!p2 $0x0  }
0x1d: {  	s5 =	simm.s32 @p1 $0x1;
	p0 =	seq.s32 s7, s2  }
0x1e: {  	s7 =	smul.u32 @!p0 $0xF7A, s2;
	p2 =	seq.s32 @!p0 s5, $0x0  }
0x1f: {  	s9 =	smul.u32 $0xF7A, s1;
	s8 =	simm.s32 @!p0 $0x1BF5;
	p2 =	por !p2, p0  }
0x20: {  	[sflag:s8] =	ssyncset.s32 @!p0 $0xFFFFF086;
	s6 =	sadd.s32 @!p0 s3, s7;
	s7 =	simm.s32 @!p0 $0x108  }
0x21: {  	s3 =	sadd.s32 s3, s9;
	s6 =	sadd.s32 @!p0 $0x88, s6;
	s7 =	simm.s32 @p2 $0x1082  }
0x22: {  	[simem:s7], [sflag:s8] =	dma.local @!p0 [hbm:s6], $0xF7A  }
0x23: {  	s9 =	sor.u32 $0xD0000000, s2;
	s6 =	simm.s32 $0x108;
	_ =	swait.ge @!p0 [sflag:s8], $0x0  }
0x24: {  	s3 =	sadd.s32 $0x88, s3;
	s6 =	simm.s32 @!p1 $0x1082;
	[sflag:s4] =	ssyncset.s32 $0xFFFFF086  }
0x25: {  	[simem:s6], [sflag:s4] =	dma.local [hbm:s3], $0xF7A  }
0x26: {  	[smem:$0x3F8F] =	sst s1;
	(tag) =	ssettag s2;
	_ =	strace s9  }
0x27: {  	s1 =	sld [smem:$0x3F9F]  }
0x28: {  	s2 =	sld [smem:$0x3FA0]  }
0x29: {  	s4 =	sld [smem:$0x3FA2]  }
0x2a: {  	p0 =	seq.s32 s5, $0x0;
	s5 =	sld [smem:$0x3FA3]  }
0x2b: {  	s6 =	sld [smem:$0x3FA4]  }
0x2c: {  	s7 =	sld [smem:$0x3FA5]  }
0x2d: {  	s3 =	simm.s32 $0x108;
	s8 =	sld [smem:$0x3FA6]  }
0x2e: {  	s3 =	simm.s32 @!p0 $0x1082;
	s9 =	sld [smem:$0x3FA7]  }
0x2f: {  	lr =	sadd.s32 s0, s3;
	s0 =	sld [smem:$0x3F9E]  }
0x30: {  	s3 =	sld [smem:$0x3FA1]  }
0x31: {  	[smem:$0x3FAA] =	sst s10  }
0x32: {  	s10 =	sld [smem:$0x3FA8];
	_ =	sdelay $0x3  }
0x33: {  	p0 =	seq.s32 s10, $0x1;
	s10 =	sld [smem:$0x3FAA];
	_ =	sdelay $0x3  }
0x34: {  	[smem:$0x3FAA] =	sst s10  }
0x35: {  	s10 =	sld [smem:$0x3FA9];
	_ =	sdelay $0x3  }
0x36: {  	p1 =	seq.s32 s10, $0x1;
	s10 =	sld [smem:$0x3FAA];
	_ =	sdelay $0x3  }
0x37: {  	[smem:$0x3FAA] =	sst s10  }
0x38: {  	s10 =	sld [smem:$0x3FAB]  }
0x39: {  	_ = 	snop;
	(pc) =	sbr.ind lr, $3  }
0x3a: {  	_ = 	snop  }
0x3b: {  	_ = 	snop  }
0x3c: {  	p2 =	seq.s32 s10, $0x1;
	s10 =	sld [smem:$0x3FAA]  }
0x3d: {  	_ =	shalt  }
0x3e: {  	_ =	shalt  }
0x3f: {  	_ =	shalt  }
0x40: {  	_ =	shalt  }
0x41: {  	_ =	shalt  }
0x42: {  	_ =	shalt  }
0x43: {  	_ =	shalt  }
0x44: {  	_ =	shalt  }
0x45: {  	_ =	shalt  }
0x46: {  	_ =	shalt  }
0x47: {  	_ =	shalt  }
0x48: {  	_ =	shalt  }
0x49: {  	_ =	shalt  }
0x4a: {  	_ =	shalt  }
0x4b: {  	_ =	shalt  }
0x4c: {  	_ =	shalt  }
0x4d: {  	_ =	shalt  }
0x4e: {  	_ =	shalt  }
0x4f: {  	_ =	shalt  }
0x50: {  	_ =	shalt  }
0x51: {  	_ =	shalt  }
0x52: {  	_ =	shalt  }
0x53: {  	_ =	shalt  }
0x54: {  	_ =	shalt  }
0x55: {  	_ =	shalt  }
0x56: {  	_ =	shalt  }
0x57: {  	_ =	shalt  }
0x58: {  	_ =	shalt  }
0x59: {  	_ =	shalt  }
0x5a: {  	_ =	shalt  }
0x5b: {  	_ =	shalt  }
0x5c: {  	_ =	shalt  }
0x5d: {  	_ =	shalt  }
0x5e: {  	_ =	shalt  }
0x5f: {  	_ =	shalt  }
0x60: {  	_ =	shalt  }
0x61: {  	_ =	shalt  }
0x62: {  	_ =	shalt  }
0x63: {  	_ =	shalt  }
0x64: {  	_ =	shalt  }
0x65: {  	_ =	shalt  }
0x66: {  	_ =	shalt  }
0x67: {  	_ =	shalt  }
0x68: {  	_ =	shalt  }
0x69: {  	_ =	shalt  }
0x6a: {  	_ =	shalt  }
0x6b: {  	_ =	shalt  }
0x6c: {  	_ =	shalt  }
0x6d: {  	_ =	shalt  }
0x6e: {  	_ =	shalt  }
0x6f: {  	_ =	shalt  }
0x70: {  	_ =	shalt  }
0x71: {  	_ =	shalt  }
0x72: {  	_ =	shalt  }
0x73: {  	_ =	shalt  }
0x74: {  	_ =	shalt  }
0x75: {  	_ =	shalt  }
0x76: {  	_ =	shalt  }
0x77: {  	_ =	shalt  }
0x78: {  	_ =	shalt  }
0x79: {  	_ =	shalt  }
0x7a: {  	_ =	shalt  }
0x7b: {  	_ =	shalt  }
0x7c: {  	_ =	shalt  }
0x7d: {  	_ =	shalt  }
0x7e: {  	_ =	shalt  }
0x7f: {  	_ =	shalt  }
0x80: {  	_ =	shalt  }
0x81: {  	_ =	shalt  }
0x82: {  	_ =	shalt  }
0x83: {  	_ =	shalt  }
0x84: {  	_ =	shalt  }
0x85: {  	_ =	shalt  }
0x86: {  	_ =	shalt  }
0x87: {  	_ =	shalt  }
.Lfunc_end0:
.L_simem_size_0:
called_computation_lowered:
.L_overlay_start_0:
0x88: {  	s2 =	sld [smem:$0x3FD9]  }
0x89: {  	s3 =	sld [smem:$0x3FFE];
	_ =	sdelay $0x1  }
0x8a: {  	s1 =	srdreg.scid  }
0x8b: {  	s0 =	sand.u32 $0x1, s1  }
0x8c: {  	s16 =	sshll.u32 s0, $0xA;
	s2 =	sadd.s32 s3, s2  }
0x8d: {  	s2 =	sadd.s32 s2, s16  }
0x8e: {  	[smem:$0x3FB6] =	sst s2  }
0x8f: {  	_ = 	snop  }
0x90: {  	(tm) =	ssettm $0x1  }
0x91: {  	s17 =	sld [smem:$0x3FFB];
	_ =	sdelay $0x3  }
0x92: {  	_ =	strace s17  }
0x93: {  	s2 =	sld [smem:$0x3FFC];
	_ =	sdelay $0x3  }
0x94: {  	_ =	strace s2  }
0x95: {  	s2 =	sld [smem:$0x3FFD];
	_ =	sdelay $0x3  }
0x96: {  	_ =	strace s2  }
0x97: {  	_ =	strace $0x8FFFFFFF  }
0x98: {  	s18 =	sld [smem:$0x3FDB];
	_ =	sdelay $0x1  }
0x99: {  	s19 =	simm.s32 $_scs_section_size  }
0x9a: {  	s4 =	simm.s32 $_size__tile_overlayer_lowered;
	s5 =	simm.s32 $_tile_overlayer_lowered  }
0x9b: {  	s22 =	simm.s32 $0x1BFF;
	s21 =	sshll.u32 s5, $0x1;
	s2 =	sadd.s32 s19, s18  }
0x9c: {  	s6 =	simm.s32 $0x0;
	s20 =	sshll.u32 s4, $0x1;
	s4 =	sadd.s32 s21, s2  }
0x9d: {  	[timem:s6], [sflag:s22] =	dma.local [hbm:s4], s20  }
0x9e: {  	_ =	swait.ge [sflag:s22], s20  }
0x9f: {  	s3 =	ssub.s32 $0x0, s20;
	[sflag:s22] =	ssyncset.done $0x0  }
0xa0: {  	[sflag:s22] =	ssyncadd.s32 s3;
	_ =	sdelay $0x1  }
0xa1: {  	s23 =	simm.s32 $0x1B8B  }
0xa2: {  	_ =	swait.ge [sflag:s23], $0x1  }
0xa3: {  	[sflag:s23] =	ssyncset.done $0x0  }
0xa4: {  	s25 =	simm.s32 $0x1B8E;
	s24 =	sld [smem:$0x3FFE];
	[sflag:s23] =	ssyncadd.s32 $0xFFFFFFFF  }
0xa5: {  	s26 =	simm.s32 $execute0_lowered;
	[smem:$0x3FD2] =	sst s25  }
0xa6: {  	s4 =	sshll.u32 s26, $0x1;
	_ =	strace $0x80000046;
	[dreg:$0x1] =	wrdreg $0xFFFFFFFF  }
0xa7: {  	s28 =	simm.s32 $_size_execute0_lowered;
	s2 =	sadd.s32 s2, s4;
	[dreg:$0x0] =	wrdreg $0x0  }
0xa8: {  	s4 =	sshll.u32 s28, $0x1;
	[dreg:$0x2] =	wrdreg s2  }
0xa9: {  	[dreg:$0x3] =	wrdreg s4  }
0xaa: {  	[dreg:$0x4] =	wrdreg $0xC0  }
0xab: {  	_ =	task [dreg:s6], $0x5FFFF  }
0xac: {  	[dreg:$0x1] =	wrdreg $0xFFFFFFFF  }
0xad: {  	[dreg:$0x0] =	wrdreg $0x60  }
0xae: {  	[dreg:$0x2] =	wrdreg s24  }
0xaf: {  	[dreg:$0x3] =	wrdreg $0x9  }
0xb0: {  	_ =	task.clear_ibuf [dreg:s6], $0x4FFFF;
	_ =	strace $0x90000046  }
0xb1: {  	s29 =	simm.s32 $0x9;
	_ =	strace $0x80000048  }
0xb2: {  	_ =	swait.ge [sflag:s29], $0x1  }
0xb3: {  	[sflag:s29] =	ssyncadd.s32 $0xFFFFFFFF  }
0xb4: {  	_ =	strace $0x90000048  }
0xb5: {  	_ =	sfence  }
0xb6: {  	s30 =	sld [smem:$0x0];
	_ =	sdelay $0x2  }
0xb7: {  	s31 =	sshll.u32 s1, $0xD;
	s1 =	sshrl.u32 s1, $0x2  }
0xb8: {  	s3 =	sand.u32 $0x4000, s31;
	s1 =	sadd.s32 s1, s30  }
0xb9: {  	s0 =	sor.u32 s3, s0;
	s1 =	sshll.u32 s1, $0x11  }
0xba: {  	s0 =	sor.u32 s1, s0  }
0xbb: {  	s0 =	sadd.s32 $0x8F2B, s0  }
0xbc: {  	[sflag:s0] =	ssyncadd.remote.s32 $0x1  }
0xbd: {  	_ =	sfence.sel $0xFFFF  }
0xbe: {  	[dreg:$0x0] =	wrdreg $0xFFFFFFFF;
	(pc) =	sbr.abs _section_cstart, $3  }
0xbf: {  	[dreg:$0x1] =	wrdreg $0xFFFFFFFF  }
0xc0: {  	_ =	task.clear_ibuf [dreg:s6], $0x2FFFF;
	_ =	strace $0x9FFFFFFF  }
0xc1: {  	(tm) =	ssettm $0x7FFFFFFF  }
tec
execute0_lowered:
.L_overlay_start_1:
0x0: {  	(tag) =	ssettag $0x1  }
0x1: {  	s1 =	srdreg.scid  }
0x2: {  	s0 =	stileid.u32;
	s5 =	sand.u32 $0x1, s1  }
0x3: {  	s7 =	rddreg [dreg:$0x0];
	s31 =	sshll.u32 s0, $0xA;
	s2 =	sshll.u32 s5, $0x9  }
0x4: {  	s1 =	rddreg [dreg:$0x1];
	s6 =	sor.u32 s2, s31  }
0x5: {  	s8 =	ssub.s32 $0x2, s5;
	s2 =	simm.s32 $0x0;
	s3 =	sshrl.u32 s6, $0x3  }
0x6: {  	s9 =	sshrl.u32 s8, $0x1;
	[smem:$0x7FF] =	sst s2;
	s3 =	sadd.s32 s3, s7  }
0x7: {  	_ =	strace $0x80000047;
	s4 =	sadd.s32 $0x3000, s3;
	s3 =	simm.s32 $0x1  }
0x8: {  	[tilespmem:s2], [sflag:$0x1] =	stream.linear.gather [hbm4b:s4+s2], $0x200, $0x38;
	[tilespmem:$0x10200] =	vst v63  }
0x9: {  	s6 =	sshll.u32 s6, $0x4;
	s8 =	ssub.s32 s8, s9;
	_ =	swait.ge [sflag:s3], $0x200  }
0xa: {  	s6 =	sadd.s32 s6, s7;
	s8 =	smax.u32 s8, $0x1;
	[sflag:s3] =	ssyncset.done $0x0  }
0xb: {  	s5 =	sadd.s32 $0x3800, s6;
	s6 =	simm.s32 $0x200;
	[sflag:s3] =	ssyncadd.s32 $0xFFFFFE00  }
0xc: {  	[tilespmem:s6], [sflag:$0x1] =	stream.linear.gather [hbm4b:s5+s2], $0x10000, $0x38;
	[tilespmem:$0x10200] =	vst v63  }
0xd: {  	p0 =	sne.s32 s8, $0x1;
	_ =	swait.ge [sflag:s3], $0x10000  }
.Ltmp0:
0xe: {  	[sflag:s3] =	ssyncset.done $0x0;
	(pc) =	sbr.rel @!p0 .LBB2_2-.Ltmp0, $4  }
0xf: {  	s7 =	sadd.s32 $0x43800, s7;
	[sflag:s3] =	ssyncadd.s32 $0xFFFF0000  }
0x10: {  	[hbm4b:s7+s6] =	stream.indirect.scatter [tilespmem:s6], [sflag:$0x1], $0x80, s2, s6, $0xb8;
	[tilespmem:$0x10200] =	vst v63  }
0x11: {  	_ =	swait.ge [sflag:s3], $0x10000  }
0x12: {  	s8 =	sadd.s32 $0xFFFFFFFF, s8;
	[sflag:s3] =	ssyncset.done $0x0  }
.LBB2_1:
0x13: {  	p0 =	sne.s32 s8, $0x1;
	s8 =	sadd.s32 $0xFFFFFFFF, s8;
	[sflag:s3] =	ssyncadd.s32 $0xFFFF0000  }
0x14: {  	[tilespmem:s2], [sflag:$0x1] =	stream.linear.gather [hbm4b:s4+s2], $0x200, $0x38;
	[tilespmem:$0x10200] =	vst v63  }
0x15: {  	_ =	swait.ge [sflag:s3], $0x200  }
0x16: {  	[sflag:s3] =	ssyncset.done $0x0  }
0x17: {  	[sflag:s3] =	ssyncadd.s32 $0xFFFFFE00  }
0x18: {  	[tilespmem:s6], [sflag:$0x1] =	stream.linear.gather [hbm4b:s5+s2], $0x10000, $0x38;
	[tilespmem:$0x10200] =	vst v63  }
0x19: {  	_ =	swait.ge [sflag:s3], $0x10000  }
.Ltmp1:
0x1a: {  	[sflag:s3] =	ssyncset.done $0x0;
	(pc) =	sbr.rel @p0 .LBB2_1-.Ltmp1, $4  }
0x1b: {  	[sflag:s3] =	ssyncadd.s32 $0xFFFF0000  }
0x1c: {  	[hbm4b:s7+s6] =	stream.indirect.scatter [tilespmem:s6], [sflag:$0x1], $0x80, s2, s6, $0xb8;
	[tilespmem:$0x10200] =	vst v63  }
0x1d: {  	_ =	swait.ge [sflag:s3], $0x10000  }
0x1e: {  	[sflag:s3] =	ssyncset.done $0x0  }
.LBB2_2:
0x1f: {  	[sflag:s3] =	ssyncadd.s32 $0xFFFF0000  }
0x20: {  	_ =	sfence.sel $0x180000  }
0x21: {  	[bflag:$0x0] =	sbarrier.arrive $0xFFFF  }
0x22: {  	p0 =	sne.s32 s0, $0x0;
	_ =	strace $0x90000047  }
0x23: {  	s0 =	sadd.s32 @!p0 $0x100000, s1;
	[bflag:$0x2] =	sbarrier.arrive $0xFFFF  }
0x24: {  	[sflag:s0] =	ssyncadd.tile.s32 @!p0 $0x1;
	_ =	shalt  }
.Lfunc_end2:
_tile_overlayer_lowered:
.L_overlay_start_2:
0x25: {  	(tag) =	ssettag $0x2  }
0x26: {  	s0 =	rddreg [dreg:$0x0];
	s2 =	stileid.u32  }
0x27: {  	s1 =	rddreg [dreg:$0x1];
	p0 =	sne.s32 s2, $0x0  }
0x28: {  	s3 =	rddreg [dreg:$0x2];
	[bflag:$0x3] =	sbarrier.arrive $0xFFFF;
	s2 =	simm.s32 @!p0 $0x1C01  }
0x29: {  	[timem:s3], [sflag:s2] =	dma.local @!p0 [hbm:s0], s1  }
0x2a: {  	s0 =	simm.s32 @!p0 $0x1  }
0x2b: {  	_ =	swait.ge @!p0 [sflag:s0], s1  }
0x2c: {  	s1 =	ssub.s32 @!p0 $0x0, s1;
	[sflag:s0] =	ssyncset.done @!p0 $0x0  }
0x2d: {  	[sflag:s0] =	ssyncadd.s32 @!p0 s1  }
0x2e: {  	[bflag:$0x3] =	sbarrier.arrive $0xFFFF  }
0x2f: {  	_ =	shalt  }

</sc_bundles>
